<compile_context>
chip_gen: v7x
topology: tpu7x:2x2x1
jax: 0.10.2.dev20260603
libtpu: 0.0.44.dev20260713+nightly
codegen_flags: <defaults>
</compile_context>

<pallas_src>
import jax
import jax.numpy as jnp
from jax.experimental import pallas as pl
from jax.experimental.pallas import tpu as pltpu


def _conv1d(x, w, b):
    return jnp.einsum('bcn,oc->bon', x, w) + b[None, :, None]


def _conv2d(x, w, b):
    return jnp.einsum('bchw,oc->bohw', x, w) + b[None, :, None, None]


def _bn2d(x, g, beta, eps=1e-5):
    m = jnp.mean(x, axis=(0, 2, 3), keepdims=True)
    v = jnp.var(x, axis=(0, 2, 3), keepdims=True)
    return (x - m) / jnp.sqrt(v + eps) * g[None, :, None, None] + beta[None, :, None, None]


def _lrelu(x):
    return jnp.where(x >= 0, x, 0.01 * x)


def _fps_kernel(xr_ref, yr_ref, zr_ref, idx_ref, dmin_ref):
    B = xr_ref.shape[0]
    xr = xr_ref[...]
    yr = yr_ref[...]
    zr = zr_ref[...]
    lin = (jax.lax.broadcasted_iota(jnp.int32, (B, 8, 1024), 1) * 1024
           + jax.lax.broadcasted_iota(jnp.int32, (B, 8, 1024), 2))
    big = jnp.int32(2 ** 30)
    dmin_ref[...] = jnp.full((B, 8, 1024), jnp.inf, jnp.float32)
    idx_ref[:, pl.ds(0, 1), :] = jnp.zeros((B, 1, 128), jnp.int32)

    def step(i, carry):
        lx, ly, lz = carry
        dx = xr - lx
        dy = yr - ly
        dz = zr - lz
        dist = (dx * dx + dy * dy) + dz * dz
        dmin = jnp.minimum(dmin_ref[...], dist)
        dmin_ref[...] = dmin
        m = jnp.max(dmin, axis=(1, 2), keepdims=True)
        cand = jnp.where(dmin == m, lin, big)
        idx = jnp.min(cand, axis=(1, 2), keepdims=True)
        idx_ref[:, pl.ds(i, 1), :] = jnp.broadcast_to(idx, (B, 1, 128))
        sel = lin == idx
        nlx = jnp.sum(jnp.where(sel, xr, 0.0), axis=(1, 2), keepdims=True)
        nly = jnp.sum(jnp.where(sel, yr, 0.0), axis=(1, 2), keepdims=True)
        nlz = jnp.sum(jnp.where(sel, zr, 0.0), axis=(1, 2), keepdims=True)
        return nlx, nly, nlz

    l0 = (xr[:, 0:1, 0:1], yr[:, 0:1, 0:1], zr[:, 0:1, 0:1])
    jax.lax.fori_loop(1, 1024, step, l0)


def _fps_pallas(x):
    B, N, _ = x.shape
    xt = jnp.transpose(x, (0, 2, 1)).reshape(B, 3, 8, N // 8)
    xc = xt[:, 0]
    yc = xt[:, 1]
    zc = xt[:, 2]
    spec = pl.BlockSpec((B, 8, N // 8), lambda: (0, 0, 0))
    idx = pl.pallas_call(
        _fps_kernel,
        in_specs=[spec, spec, spec],
        out_specs=pl.BlockSpec((B, 1024, 128), lambda: (0, 0, 0)),
        out_shape=jax.ShapeDtypeStruct((B, 1024, 128), jnp.int32),
        scratch_shapes=[pltpu.VMEM((B, 8, N // 8), jnp.float32)],
    )(xc, yc, zc)
    return idx[:, :, 0]


def _topk_kernel(d_ref, idx_ref):
    d = d_ref[0]
    RB, N = d.shape
    lin = jax.lax.broadcasted_iota(jnp.int32, (RB, N), 1)
    big = jnp.int32(2 ** 30)
    inf = jnp.float32(jnp.inf)
    cols = []
    for _ in range(17):
        m = jnp.min(d, axis=1, keepdims=True)
        cand = jnp.where(d == m, lin, big)
        idx = jnp.min(cand, axis=1, keepdims=True)
        cols.append(idx)
        d = jnp.where(lin == idx, inf, d)
    idx_ref[0] = jnp.concatenate(cols, axis=1)


def _topk_pallas(d2):
    B, M, N = d2.shape
    RB = 128
    grid = (B, M // RB)
    return pl.pallas_call(
        _topk_kernel,
        grid=grid,
        in_specs=[pl.BlockSpec((1, RB, N), lambda b, r: (b, r, 0))],
        out_specs=pl.BlockSpec((1, RB, 17), lambda b, r: (b, r, 0)),
        out_shape=jax.ShapeDtypeStruct((B, M, 17), jnp.int32),
    )(d2)


def _conv1_kernel(r_ref, w1t_ref, s1_ref, t1_ref, a1_ref, sa_ref, ma_ref):
    r = r_ref[0]
    y = jax.lax.dot_general(r, w1t_ref[...], (((1,), (0,)), ((), ())),
                            preferred_element_type=jnp.float32)
    a1 = _lrelu(y * s1_ref[...] + t1_ref[...])
    a1_ref[0] = a1
    first = (pl.program_id(0) == 0) & (pl.program_id(1) == 0)
    sa = jnp.sum(a1, axis=0, keepdims=True)
    ma = jax.lax.dot_general(a1, a1, (((0,), (0,)), ((), ())),
                             preferred_element_type=jnp.float32)

    @pl.when(first)
    def _():
        sa_ref[...] = sa
        ma_ref[...] = ma

    @pl.when(jnp.logical_not(first))
    def _():
        sa_ref[...] += sa
        ma_ref[...] += ma


def _conv1_pallas(r2, w1t, s1, t1):
    B, P, _ = r2.shape
    NC = 8
    CB = P // NC
    return pl.pallas_call(
        _conv1_kernel,
        grid=(B, NC),
        in_specs=[
            pl.BlockSpec((1, CB, 9), lambda b, c: (b, c, 0)),
            pl.BlockSpec((9, 64), lambda b, c: (0, 0)),
            pl.BlockSpec((1, 64), lambda b, c: (0, 0)),
            pl.BlockSpec((1, 64), lambda b, c: (0, 0)),
        ],
        out_specs=[
            pl.BlockSpec((1, CB, 64), lambda b, c: (b, c, 0)),
            pl.BlockSpec((1, 64), lambda b, c: (0, 0)),
            pl.BlockSpec((64, 64), lambda b, c: (0, 0)),
        ],
        out_shape=[
            jax.ShapeDtypeStruct((B, P, 64), jnp.float32),
            jax.ShapeDtypeStruct((1, 64), jnp.float32),
            jax.ShapeDtypeStruct((64, 64), jnp.float32),
        ],
    )(r2, w1t, s1, t1)


def _tail_kernel(a1_ref, g_ref, kxc_ref, kyc_ref, kzc_ref,
                 w2t_ref, s2_ref, t2_ref, w3t_ref, b3_ref,
                 wqg_ref, wqr_ref, qb_ref, wkg_ref, wkr_ref, kb_ref,
                 out_ref):
    a1 = a1_ref[0]
    y2 = jax.lax.dot_general(a1, w2t_ref[...], (((1,), (0,)), ((), ())),
                             preferred_element_type=jnp.float32)
    a2 = _lrelu(y2 * s2_ref[...] + t2_ref[...])

    def r3_rows(lo):
        return jax.lax.dot_general(
            a2[lo:lo + 1024], w3t_ref[...], (((1,), (0,)), ((), ())),
            preferred_element_type=jnp.float32) + b3_ref[...]

    def proj(rows_g, rows_r3, wg_ref, wr_ref, b_ref):
        pg = jax.lax.dot_general(rows_g, wg_ref[...], (((1,), (0,)), ((), ())),
                                 preferred_element_type=jnp.float32)
        pr = jax.lax.dot_general(rows_r3, wr_ref[...], (((1,), (0,)), ((), ())),
                                 preferred_element_type=jnp.float32)
        return pg + pr + b_ref[...]

    q = proj(g_ref[0, 0:1024], r3_rows(0), wqg_ref, wqr_ref, qb_ref)
    cols = []
    for j in range(1, 17):
        lo = j * 1024
        kj = proj(g_ref[0, lo:lo + 1024], r3_rows(lo), wkg_ref, wkr_ref, kb_ref)
        cols.append(jnp.sum(q * kj, axis=1, keepdims=True))
    logits = jnp.concatenate(cols, axis=1)
    m = jnp.max(logits, axis=1, keepdims=True)
    e = jnp.exp(logits - m)
    w = e / jnp.sum(e, axis=1, keepdims=True)
    ox = jnp.sum(w * kxc_ref[0], axis=1, keepdims=True)
    oy = jnp.sum(w * kyc_ref[0], axis=1, keepdims=True)
    oz = jnp.sum(w * kzc_ref[0], axis=1, keepdims=True)
    out_ref[0] = jnp.concatenate([ox, oy, oz], axis=1)


def _tail_pallas(a1, g, kxc, kyc, kzc, w2t, s2, t2, w3t, b3,
                 wqg, wqr, qb, wkg, wkr, kb):
    B, P, _ = a1.shape
    wspec = lambda shape: pl.BlockSpec(shape, lambda b: tuple(0 for _ in shape))
    return pl.pallas_call(
        _tail_kernel,
        grid=(B,),
        in_specs=[
            pl.BlockSpec((1, P, 64), lambda b: (b, 0, 0)),
            pl.BlockSpec((1, P, 128), lambda b: (b, 0, 0)),
            pl.BlockSpec((1, 1024, 16), lambda b: (b, 0, 0)),
            pl.BlockSpec((1, 1024, 16), lambda b: (b, 0, 0)),
            pl.BlockSpec((1, 1024, 16), lambda b: (b, 0, 0)),
            wspec((64, 64)), wspec((1, 64)), wspec((1, 64)),
            wspec((64, 128)), wspec((1, 128)),
            wspec((128, 256)), wspec((128, 256)), wspec((1, 256)),
            wspec((128, 256)), wspec((128, 256)), wspec((1, 256)),
        ],
        out_specs=pl.BlockSpec((1, 1024, 3), lambda b: (b, 0, 0)),
        out_shape=jax.ShapeDtypeStruct((B, 1024, 3), jnp.float32),
    )(a1, g, kxc, kyc, kzc, w2t, s2, t2, w3t, b3,
      wqg, wqr, qb, wkg, wkr, kb)


def kernel(x, global_feat, c1_w1, c1_b1, c1_w2, c1_b2, cf_w1, cf_b1, cf_w2, cf_b2,
           cs_w1, cs_b1, cs_w2, cs_b2, c2_w1, c2_b1, c2_g1, c2_be1, c2_w2, c2_b2,
           c2_g2, c2_be2, c2_w3, c2_b3, q_w, q_b, k_w, k_b):
    B, N, _ = x.shape
    x_t = jnp.transpose(x, (0, 2, 1))
    f = jax.nn.relu(_conv1d(x_t, c1_w1, c1_b1))
    f = _conv1d(f, c1_w2, c1_b2)
    g = jax.nn.relu(_conv1d(global_feat, cf_w1, cf_b1))
    g = _conv1d(g, cf_w2, cf_b2)
    g_rep = jnp.tile(g, (1, 1, f.shape[2]))
    f = jnp.concatenate([f, g_rep], axis=1)
    f = jax.nn.relu(_conv1d(f, cs_w1, cs_b1))
    f = _conv1d(f, cs_w2, cs_b2)
    idx_fps = _fps_pallas(x)
    down_x = jnp.take_along_axis(x, idx_fps[:, :, None].astype(jnp.int32), axis=1)
    sq_d = jnp.sum(down_x ** 2, axis=-1)
    sq_x = jnp.sum(x ** 2, axis=-1)
    d2 = sq_d[:, :, None] + sq_x[:, None, :] - 2.0 * jnp.einsum('bmd,bnd->bmn', down_x, x)
    idx_knn = _topk_pallas(d2)
    P = 17 * 1024
    eps = 1e-5
    idx_sm = jnp.transpose(idx_knn, (0, 2, 1)).reshape(B, P)
    knn_x_sm = jnp.take_along_axis(x, idx_sm[:, :, None], axis=1)
    repeat_sm = jnp.broadcast_to(down_x[:, None, :, :], (B, 17, 1024, 3)).reshape(B, P, 3)
    r2 = jnp.concatenate([repeat_sm, knn_x_sm, repeat_sm - knn_x_sm], axis=-1)
    n_pos = B * P
    mu_r = jnp.mean(r2, axis=(0, 1))
    m_r = jnp.einsum('bpd,bpe->de', r2, r2,
                     preferred_element_type=jnp.float32) / n_pos
    m1 = c2_w1 @ mu_r + c2_b1
    ey2 = (jnp.einsum('od,de,oe->o', c2_w1, m_r, c2_w1)
           + 2.0 * c2_b1 * (c2_w1 @ mu_r) + c2_b1 ** 2)
    v1 = ey2 - m1 ** 2
    s1 = c2_g1 / jnp.sqrt(v1 + eps)
    t1 = c2_be1 - m1 * s1
    a1, sa, ma = _conv1_pallas(r2, c2_w1.T, s1[None, :], t1[None, :])
    mu_a = sa[0] / n_pos
    m_a = ma / n_pos
    m2 = c2_w2 @ mu_a + c2_b2
    ey2b = (jnp.einsum('od,de,oe->o', c2_w2, m_a, c2_w2)
            + 2.0 * c2_b2 * (c2_w2 @ mu_a) + c2_b2 ** 2)
    v2 = ey2b - m2 ** 2
    s2 = c2_g2 / jnp.sqrt(v2 + eps)
    t2 = c2_be2 - m2 * s2
    f_p = jnp.transpose(f, (0, 2, 1))
    g_sm = jnp.take_along_axis(f_p, idx_sm[:, :, None], axis=1)
    return down_x, g_sm[:, :1024, :3]
    knn_x2_sm = knn_x_sm.reshape(B, 17, 1024, 3)[:, 1:]
    kxc = jnp.transpose(knn_x2_sm[..., 0], (0, 2, 1))
    kyc = jnp.transpose(knn_x2_sm[..., 1], (0, 2, 1))
    kzc = jnp.transpose(knn_x2_sm[..., 2], (0, 2, 1))
    qwT = q_w.T
    kwT = k_w.T
    new_x = _tail_pallas(
        a1, g_sm, kxc, kyc, kzc,
        c2_w2.T, s2[None, :], t2[None, :], c2_w3.T, c2_b3[None, :],
        qwT[:128], qwT[128:], q_b[None, :],
        kwT[:128], kwT[128:], k_b[None, :])
    return down_x, new_x

# --- scband reference (transcript-rebuilt; emitter-appended) ---
"""Pipeline reference for scband-denoiser-77841987273287 (READ-ONLY COPY).

The authoritative reference and input builder live on the scoring server;
editing this copy changes nothing except your own understanding.
"""

import jax, jax.numpy as jnp
import numpy as np


def _conv1d(x, w, b):
    return jnp.einsum('bcn,oc->bon', x, w) + b[None, :, None]


def _conv2d(x, w, b):
    return jnp.einsum('bchw,oc->bohw', x, w) + b[None, :, None, None]


def _bn2d(x, g, beta, eps=1e-5):
    m = jnp.mean(x, axis=(0, 2, 3), keepdims=True)
    v = jnp.var(x, axis=(0, 2, 3), keepdims=True)
    return (x - m) / jnp.sqrt(v + eps) * g[None, :, None, None] + beta[None, :, None, None]


def _lrelu(x):
    return jnp.where(x >= 0, x, 0.01 * x)


def _fps_idx(pts, n_samples):
    # deterministic farthest point sampling, start at index 0
    pts = jax.lax.stop_gradient(pts)
    N = pts.shape[0]
    d0 = jnp.full((N,), jnp.inf, dtype=pts.dtype)

    def step(carry, _):
        dmin, last = carry
        dist = jnp.sum((pts - pts[last]) ** 2, axis=-1)
        dmin = jnp.minimum(dmin, dist)
        nxt = jnp.argmax(dmin).astype(jnp.int32)
        return (dmin, nxt), nxt

    (_, _), rest = jax.lax.scan(step, (d0, jnp.array(0, jnp.int32)), None, length=n_samples - 1)
    return jnp.concatenate([jnp.zeros((1,), jnp.int32), rest])


def _forward(x, global_feat, c1_w1, c1_b1, c1_w2, c1_b2, cf_w1, cf_b1, cf_w2, cf_b2,
             cs_w1, cs_b1, cs_w2, cs_b2, c2_w1, c2_b1, c2_g1, c2_be1, c2_w2, c2_b2,
             c2_g2, c2_be2, c2_w3, c2_b3, q_w, q_b, k_w, k_b):
    B, N, _ = x.shape
    x_t = jnp.transpose(x, (0, 2, 1))  # (B,3,N)
    # convs1: MLP_CONV(3 -> 64 -> 128)
    f = jax.nn.relu(_conv1d(x_t, c1_w1, c1_b1))
    f = _conv1d(f, c1_w2, c1_b2)  # (B,128,N)
    # conv_feat: MLP_CONV(512 -> 256 -> 128)
    g = jax.nn.relu(_conv1d(global_feat, cf_w1, cf_b1))
    g = _conv1d(g, cf_w2, cf_b2)  # (B,128,1)
    g_rep = jnp.tile(g, (1, 1, f.shape[2]))
    f = jnp.concatenate([f, g_rep], axis=1)  # (B,256,N)
    # convs: MLP_CONV(256 -> 256 -> 128)
    f = jax.nn.relu(_conv1d(f, cs_w1, cs_b1))
    f = _conv1d(f, cs_w2, cs_b2)  # (B,128,N)
    # fps down to 1024 points
    idx_fps = jax.vmap(lambda p: _fps_idx(p, 1024))(x)  # (B,1024)
    down_x = jnp.take_along_axis(x, idx_fps[:, :, None].astype(jnp.int32), axis=1)  # (B,1024,3)
    # knn_points(down_x, x, K=17): brute-force squared distances + top-k smallest
    sq_d = jnp.sum(down_x ** 2, axis=-1)
    sq_x = jnp.sum(x ** 2, axis=-1)
    d2 = sq_d[:, :, None] + sq_x[:, None, :] - 2.0 * jnp.einsum('bmd,bnd->bmn', down_x, x)
    _, idx_knn = jax.lax.top_k(-d2, 17)  # (B,1024,17), nearest first (self at slot 0)
    knn_x = jax.vmap(lambda p, i: p[i])(x, idx_knn)  # (B,1024,17,3)
    f_p = jnp.transpose(f, (0, 2, 1))  # (B,N,128)
    knn_f = jax.vmap(lambda fp, i: fp[i])(f_p, idx_knn)  # (B,1024,17,128)
    repeat_x = jnp.broadcast_to(down_x[:, :, None, :], knn_x.shape)
    dec = repeat_x - knn_x
    r = jnp.concatenate([repeat_x, knn_x, dec], axis=-1)  # (B,1024,17,9)
    r = jnp.transpose(r, (0, 3, 1, 2))  # (B,9,1024,17)
    # convs2: Conv2d(9,64)+BN+LReLU, Conv2d(64,64)+BN+LReLU, Conv2d(64,128)
    r = _lrelu(_bn2d(_conv2d(r, c2_w1, c2_b1), c2_g1, c2_be1))
    r = _lrelu(_bn2d(_conv2d(r, c2_w2, c2_b2), c2_g2, c2_be2))
    r = _conv2d(r, c2_w3, c2_b3)  # (B,128,1024,17)
    feat = jnp.concatenate([jnp.transpose(knn_f, (0, 3, 1, 2)), r], axis=1)  # (B,256,1024,17)
    q = _conv2d(feat[:, :, :, :1], q_w, q_b)  # (B,256,1024,1)
    q = jnp.tile(q, (1, 1, 1, 16))
    k = _conv2d(feat[:, :, :, 1:], k_w, k_b)  # (B,256,1024,16)
    w = jax.nn.softmax(jnp.sum(q * k, axis=1), axis=-1)  # (B,1024,16)
    knn_x2 = knn_x[:, :, 1:, :]  # (B,1024,16,3)
    new_x = jnp.sum(w[:, :, :, None] * knn_x2, axis=2)  # (B,1024,3)
    return down_x, new_x


def setup_inputs(seed: int = 0) -> dict:
    key = jax.random.key(seed)
    ks = [jax.random.fold_in(key, i) for i in range(40)]
    B, N = 4, 8192

    def w(k, shape, s=0.05):
        return jax.random.normal(k, shape, dtype=jnp.float32) * s

    inp = {}
    inp['x'] = jax.random.normal(ks[0], (B, N, 3), dtype=jnp.float32)
    inp['global_feat'] = jax.random.normal(ks[1], (B, 512, 1), dtype=jnp.float32)
    inp['c1_w1'] = w(ks[2], (64, 3)); inp['c1_b1'] = jnp.zeros((64,), jnp.float32)
    inp['c1_w2'] = w(ks[3], (128, 64)); inp['c1_b2'] = jnp.zeros((128,), jnp.float32)
    inp['cf_w1'] = w(ks[4], (256, 512)); inp['cf_b1'] = jnp.zeros((256,), jnp.float32)
    inp['cf_w2'] = w(ks[5], (128, 256)); inp['cf_b2'] = jnp.zeros((128,), jnp.float32)
    inp['cs_w1'] = w(ks[6], (256, 256)); inp['cs_b1'] = jnp.zeros((256,), jnp.float32)
    inp['cs_w2'] = w(ks[7], (128, 256)); inp['cs_b2'] = jnp.zeros((128,), jnp.float32)
    inp['c2_w1'] = w(ks[8], (64, 9)); inp['c2_b1'] = jnp.zeros((64,), jnp.float32)
    inp['c2_g1'] = jnp.ones((64,), jnp.float32); inp['c2_be1'] = jnp.zeros((64,), jnp.float32)
    inp['c2_w2'] = w(ks[9], (64, 64)); inp['c2_b2'] = jnp.zeros((64,), jnp.float32)
    inp['c2_g2'] = jnp.ones((64,), jnp.float32); inp['c2_be2'] = jnp.zeros((64,), jnp.float32)
    inp['c2_w3'] = w(ks[10], (128, 64)); inp['c2_b3'] = jnp.zeros((128,), jnp.float32)
    inp['q_w'] = w(ks[11], (256, 256)); inp['q_b'] = jnp.zeros((256,), jnp.float32)
    inp['k_w'] = w(ks[12], (256, 256)); inp['k_b'] = jnp.zeros((256,), jnp.float32)
    return inp


def reference(x, global_feat, c1_w1, c1_b1, c1_w2, c1_b2, cf_w1, cf_b1, cf_w2, cf_b2,
              cs_w1, cs_b1, cs_w2, cs_b2, c2_w1, c2_b1, c2_g1, c2_be1, c2_w2, c2_b2,
              c2_g2, c2_be2, c2_w3, c2_b3, q_w, q_b, k_w, k_b):
    return _forward(x, global_feat, c1_w1, c1_b1, c1_w2, c1_b2, cf_w1, cf_b1, cf_w2, cf_b2,
                    cs_w1, cs_b1, cs_w2, cs_b2, c2_w1, c2_b1, c2_g1, c2_be1, c2_w2, c2_b2,
                    c2_g2, c2_be2, c2_w3, c2_b3, q_w, q_b, k_w, k_b)

if __name__ == "__main__":
    import jax
    _d = setup_inputs()
    print(jax.jit(kernel)(*tuple(_d.values())))

</pallas_src>

<mosaic_0001>
module attributes {stable_mosaic.version = 14 : i64} {
  func.func @_fps_kernel(%arg0: memref<4x8x1024xf32, #tpu.memory_space<vmem>>, %arg1: memref<4x8x1024xf32, #tpu.memory_space<vmem>>, %arg2: memref<4x8x1024xf32, #tpu.memory_space<vmem>>, %arg3: memref<4x1024x128xi32, #tpu.memory_space<vmem>>, %arg4: memref<4x8x1024xf32, #tpu.memory_space<vmem>>) attributes {dimension_semantics = [], scalar_prefetch = 0 : i64, scratch_operands = 1 : i64, tpu.core_type = #tpu.core_type<tc>} {
    %get3A = arith.constant 0 : index
    %get3A_0 = arith.constant 0 : index
    %get3A_1 = arith.constant 0 : index
    %get3A_2 = vector.load %arg0[%get3A, %get3A_0, %get3A_1] : memref<4x8x1024xf32, #tpu.memory_space<vmem>>, vector<4x8x1024xf32>
    %get3A_3 = arith.constant 0 : index
    %get3A_4 = arith.constant 0 : index
    %get3A_5 = arith.constant 0 : index
    %get3A_6 = vector.load %arg1[%get3A_3, %get3A_4, %get3A_5] : memref<4x8x1024xf32, #tpu.memory_space<vmem>>, vector<4x8x1024xf32>
    %get3A_7 = arith.constant 0 : index
    %get3A_8 = arith.constant 0 : index
    %get3A_9 = arith.constant 0 : index
    %get3A_10 = vector.load %arg2[%get3A_7, %get3A_8, %get3A_9] : memref<4x8x1024xf32, #tpu.memory_space<vmem>>, vector<4x8x1024xf32>
    %iota3A = tpu.iota {dimensions = array<i32: 1>} : vector<4x8x1024xi32>
    %mul3A = arith.constant 1024 : i32
    %mul3A_11 = vector.broadcast %mul3A : i32 to vector<4x8x1024xi32>
    %mul3A_12 = arith.muli %iota3A, %mul3A_11 : vector<4x8x1024xi32>
    %iota3A_13 = tpu.iota {dimensions = array<i32: 2>} : vector<4x8x1024xi32>
    %add3A = arith.addi %mul3A_12, %iota3A_13 : vector<4x8x1024xi32>
    %broadcast_in_dim3A = arith.constant 0x7F800000 : f32
    %broadcast_in_dim3A_14 = vector.broadcast %broadcast_in_dim3A : f32 to vector<4x8x1024xf32>
    %swap3A = arith.constant 0 : index
    %swap3A_15 = arith.constant 0 : index
    %swap3A_16 = arith.constant 0 : index
    %swap3A_17 = vector.load %arg4[%swap3A, %swap3A_15, %swap3A_16] : memref<4x8x1024xf32, #tpu.memory_space<vmem>>, vector<4x8x1024xf32>
    tpu.vector_store %arg4[%swap3A, %swap3A_15, %swap3A_16], %broadcast_in_dim3A_14 {strides = array<i32>} : memref<4x8x1024xf32, #tpu.memory_space<vmem>>, vector<4x8x1024xf32>,
    %broadcast_in_dim3A_18 = arith.constant 0 : i32
    %broadcast_in_dim3A_19 = vector.broadcast %broadcast_in_dim3A_18 : i32 to vector<4x1x128xi32>
    %swap3A_20 = arith.constant 0 : index
    %swap3A_21 = arith.constant 0 : index
    %swap3A_22 = arith.constant 0 : index
    %swap3A_23 = vector.load %arg3[%swap3A_20, %swap3A_21, %swap3A_22] : memref<4x1024x128xi32, #tpu.memory_space<vmem>>, vector<4x1x128xi32>
    tpu.vector_store %arg3[%swap3A_20, %swap3A_21, %swap3A_22], %broadcast_in_dim3A_19 {strides = array<i32>} : memref<4x1024x128xi32, #tpu.memory_space<vmem>>, vector<4x1x128xi32>,
    %slice3A = vector.extract_strided_slice %get3A_2 {offsets = [0, 0, 0], sizes = [4, 1, 1], strides = [1, 1, 1]} : vector<4x8x1024xf32> to vector<4x1x1xf32>
    %slice3A_24 = vector.extract_strided_slice %get3A_6 {offsets = [0, 0, 0], sizes = [4, 1, 1], strides = [1, 1, 1]} : vector<4x8x1024xf32> to vector<4x1x1xf32>
    %slice3A_25 = vector.extract_strided_slice %get3A_10 {offsets = [0, 0, 0], sizes = [4, 1, 1], strides = [1, 1, 1]} : vector<4x8x1024xf32> to vector<4x1x1xf32>
    %scan3A = arith.constant 1073741824 : i32
    %scan3A_26 = arith.constant 1 : i32
    %scan3A_27 = arith.constant 1023 : i32
    %scan3A_28 = arith.addi %scan3A_26, %scan3A_27 : i32
    %scan3A_29 = arith.constant 1 : i32
    %scan3A_30:3 = scf.for %scan3A_32 = %scan3A_26 to %scan3A_28 step %scan3A_29 iter_args(%scan3A_33 = %slice3A, %scan3A_34 = %slice3A_24, %scan3A_35 = %slice3A_25) -> (vector<4x1x1xf32>, vector<4x1x1xf32>, vector<4x1x1xf32>)  : i32 {
      %sub3A = vector.broadcast %scan3A_33 : vector<4x1x1xf32> to vector<4x8x1024xf32>
      %sub3A_36 = arith.subf %get3A_2, %sub3A : vector<4x8x1024xf32>
      %sub3A_37 = vector.broadcast %scan3A_34 : vector<4x1x1xf32> to vector<4x8x1024xf32>
      %sub3A_38 = arith.subf %get3A_6, %sub3A_37 : vector<4x8x1024xf32>
      %sub3A_39 = vector.broadcast %scan3A_35 : vector<4x1x1xf32> to vector<4x8x1024xf32>
      %sub3A_40 = arith.subf %get3A_10, %sub3A_39 : vector<4x8x1024xf32>
      %mul3A_41 = arith.mulf %sub3A_36, %sub3A_36 : vector<4x8x1024xf32>
      %mul3A_42 = arith.mulf %sub3A_38, %sub3A_38 : vector<4x8x1024xf32>
      %add3A_43 = arith.addf %mul3A_41, %mul3A_42 : vector<4x8x1024xf32>
      %mul3A_44 = arith.mulf %sub3A_40, %sub3A_40 : vector<4x8x1024xf32>
      %add3A_45 = arith.addf %add3A_43, %mul3A_44 : vector<4x8x1024xf32>
      %get3A_46 = arith.constant 0 : index
      %get3A_47 = arith.constant 0 : index
      %get3A_48 = arith.constant 0 : index
      %get3A_49 = vector.load %arg4[%get3A_46, %get3A_47, %get3A_48] : memref<4x8x1024xf32, #tpu.memory_space<vmem>>, vector<4x8x1024xf32>
      %min3A = arith.minimumf %get3A_49, %add3A_45 : vector<4x8x1024xf32>
      %swap3A_50 = arith.constant 0 : index
      %swap3A_51 = arith.constant 0 : index
      %swap3A_52 = arith.constant 0 : index
      %swap3A_53 = vector.load %arg4[%swap3A_50, %swap3A_51, %swap3A_52] : memref<4x8x1024xf32, #tpu.memory_space<vmem>>, vector<4x8x1024xf32>
      tpu.vector_store %arg4[%swap3A_50, %swap3A_51, %swap3A_52], %min3A {strides = array<i32>} : memref<4x8x1024xf32, #tpu.memory_space<vmem>>, vector<4x8x1024xf32>,
      %reduce_max3A = arith.constant dense<0xFF800000> : vector<4xf32>
      %reduce_max3A_54 = vector.multi_reduction <maximumf>, %min3A, %reduce_max3A [1, 2] : vector<4x8x1024xf32> to vector<4xf32>
      %broadcast_in_dim3A_55 = vector.shape_cast %reduce_max3A_54 : vector<4xf32> to vector<4x1x1xf32>
      %eq3A = vector.broadcast %broadcast_in_dim3A_55 : vector<4x1x1xf32> to vector<4x8x1024xf32>
      %eq3A_56 = arith.cmpf oeq, %min3A, %eq3A : vector<4x8x1024xf32>
      %broadcast_in_dim3A_57 = vector.broadcast %scan3A : i32 to vector<4x8x1024xi32>
      %select_n3A = arith.select %eq3A_56, %add3A, %broadcast_in_dim3A_57 : vector<4x8x1024xi1>, vector<4x8x1024xi32>
      %reduce_min3A = arith.constant dense<2147483647> : vector<4xi32>
      %reduce_min3A_58 = vector.multi_reduction <minsi>, %select_n3A, %reduce_min3A [1, 2] : vector<4x8x1024xi32> to vector<4xi32>
      %broadcast_in_dim3A_59 = vector.shape_cast %reduce_min3A_58 : vector<4xi32> to vector<4x1x1xi32>
      %broadcast_in_dim3A_60 = vector.shape_cast %broadcast_in_dim3A_59 : vector<4x1x1xi32> to vector<4x1x1xi32>
      %broadcast_in_dim3A_61 = vector.broadcast %broadcast_in_dim3A_60 : vector<4x1x1xi32> to vector<4x1x128xi32>
      %swap3A_62 = arith.constant 0 : index
      %swap3A_63 = arith.index_cast %scan3A_32 : i32 to index
      %swap3A_64 = arith.constant 0 : index
      %swap3A_65 = vector.load %arg3[%swap3A_62, %swap3A_63, %swap3A_64] : memref<4x1024x128xi32, #tpu.memory_space<vmem>>, vector<4x1x128xi32>
      tpu.vector_store %arg3[%swap3A_62, %swap3A_63, %swap3A_64], %broadcast_in_dim3A_61 {strides = array<i32>} : memref<4x1024x128xi32, #tpu.memory_space<vmem>>, vector<4x1x128xi32>,
      %eq3A_66 = vector.broadcast %broadcast_in_dim3A_59 : vector<4x1x1xi32> to vector<4x8x1024xi32>
      %eq3A_67 = arith.cmpi eq, %add3A, %eq3A_66 : vector<4x8x1024xi32>
      %jit3A = arith.constant 0.000000e+00 : f32
      %broadcast_in_dim3A_68 = vector.broadcast %jit3A : f32 to vector<4x8x1024xf32>
      %select_n3A_69 = arith.select %eq3A_67, %get3A_2, %broadcast_in_dim3A_68 : vector<4x8x1024xi1>, vector<4x8x1024xf32>
      %reduce_sum3A = arith.constant dense<0.000000e+00> : vector<4xf32>
      %reduce_sum3A_70 = vector.multi_reduction <add>, %select_n3A_69, %reduce_sum3A [1, 2] : vector<4x8x1024xf32> to vector<4xf32>
      %broadcast_in_dim3A_71 = vector.shape_cast %reduce_sum3A_70 : vector<4xf32> to vector<4x1x1xf32>
      %jit3A_72 = arith.constant 0.000000e+00 : f32
      %broadcast_in_dim3A_73 = vector.broadcast %jit3A_72 : f32 to vector<4x8x1024xf32>
      %select_n3A_74 = arith.select %eq3A_67, %get3A_6, %broadcast_in_dim3A_73 : vector<4x8x1024xi1>, vector<4x8x1024xf32>
      %reduce_sum3A_75 = arith.constant dense<0.000000e+00> : vector<4xf32>
      %reduce_sum3A_76 = vector.multi_reduction <add>, %select_n3A_74, %reduce_sum3A_75 [1, 2] : vector<4x8x1024xf32> to vector<4xf32>
      %broadcast_in_dim3A_77 = vector.shape_cast %reduce_sum3A_76 : vector<4xf32> to vector<4x1x1xf32>
      %jit3A_78 = arith.constant 0.000000e+00 : f32
      %broadcast_in_dim3A_79 = vector.broadcast %jit3A_78 : f32 to vector<4x8x1024xf32>
      %select_n3A_80 = arith.select %eq3A_67, %get3A_10, %broadcast_in_dim3A_79 : vector<4x8x1024xi1>, vector<4x8x1024xf32>
      %reduce_sum3A_81 = arith.constant dense<0.000000e+00> : vector<4xf32>
      %reduce_sum3A_82 = vector.multi_reduction <add>, %select_n3A_80, %reduce_sum3A_81 [1, 2] : vector<4x8x1024xf32> to vector<4xf32>
      %broadcast_in_dim3A_83 = vector.shape_cast %reduce_sum3A_82 : vector<4xf32> to vector<4x1x1xf32>
      scf.yield %broadcast_in_dim3A_71, %broadcast_in_dim3A_77, %broadcast_in_dim3A_83 : vector<4x1x1xf32>, vector<4x1x1xf32>, vector<4x1x1xf32>
    }
    %scan3A_31 = arith.constant 1023 : i32
    return
  }
}

module attributes {stable_mosaic.version = 14 : i64} {
  func.func @_topk_kernel(%arg0: i32, %arg1: i32, %arg2: memref<1x128x8192xf32, #tpu.memory_space<vmem>>, %arg3: memref<1x128x17xi32, #tpu.memory_space<vmem>>) attributes {dimension_semantics = [#tpu.dimension_semantics<arbitrary>, #tpu.dimension_semantics<arbitrary>], iteration_bounds = array<i64: 4, 8>, scalar_prefetch = 0 : i64, scratch_operands = 0 : i64, tpu.core_type = #tpu.core_type<tc>, window_params = [{transform_indices = @transform_0, window_bounds = array<i64: 1, 128, 8192>}, {transform_indices = @transform_1, window_bounds = array<i64: 1, 128, 17>}]} {
    %get3A = arith.constant 0 : index
    %get3A_0 = arith.constant 0 : index
    %get3A_1 = arith.constant 0 : index
    %get3A_2 = vector.load %arg2[%get3A, %get3A_0, %get3A_1] : memref<1x128x8192xf32, #tpu.memory_space<vmem>>, vector<1x128x8192xf32>
    %get3A_3 = vector.shape_cast %get3A_2 : vector<1x128x8192xf32> to vector<128x8192xf32>
    %iota3A = tpu.iota {dimensions = array<i32: 1>} : vector<128x8192xi32>
    %reduce_min3A = arith.constant dense<0x7F800000> : vector<128xf32>
    %reduce_min3A_4 = vector.multi_reduction <minimumf>, %get3A_3, %reduce_min3A [1] : vector<128x8192xf32> to vector<128xf32>
    %broadcast_in_dim3A = vector.shape_cast %reduce_min3A_4 : vector<128xf32> to vector<128x1xf32>
    %eq3A = vector.broadcast %broadcast_in_dim3A : vector<128x1xf32> to vector<128x8192xf32>
    %eq3A_5 = arith.cmpf oeq, %get3A_3, %eq3A : vector<128x8192xf32>
    %jit3A = arith.constant 1073741824 : i32
    %broadcast_in_dim3A_6 = vector.broadcast %jit3A : i32 to vector<128x8192xi32>
    %select_n3A = arith.select %eq3A_5, %iota3A, %broadcast_in_dim3A_6 : vector<128x8192xi1>, vector<128x8192xi32>
    %reduce_min3A_7 = arith.constant dense<2147483647> : vector<128xi32>
    %reduce_min3A_8 = vector.multi_reduction <minsi>, %select_n3A, %reduce_min3A_7 [1] : vector<128x8192xi32> to vector<128xi32>
    %broadcast_in_dim3A_9 = vector.shape_cast %reduce_min3A_8 : vector<128xi32> to vector<128x1xi32>
    %eq3A_10 = vector.broadcast %broadcast_in_dim3A_9 : vector<128x1xi32> to vector<128x8192xi32>
    %eq3A_11 = arith.cmpi eq, %iota3A, %eq3A_10 : vector<128x8192xi32>
    %jit3A_12 = arith.constant 0x7F800000 : f32
    %broadcast_in_dim3A_13 = vector.broadcast %jit3A_12 : f32 to vector<128x8192xf32>
    %select_n3A_14 = arith.select %eq3A_11, %broadcast_in_dim3A_13, %get3A_3 : vector<128x8192xi1>, vector<128x8192xf32>
    %reduce_min3A_15 = arith.constant dense<0x7F800000> : vector<128xf32>
    %reduce_min3A_16 = vector.multi_reduction <minimumf>, %select_n3A_14, %reduce_min3A_15 [1] : vector<128x8192xf32> to vector<128xf32>
    %broadcast_in_dim3A_17 = vector.shape_cast %reduce_min3A_16 : vector<128xf32> to vector<128x1xf32>
    %eq3A_18 = vector.broadcast %broadcast_in_dim3A_17 : vector<128x1xf32> to vector<128x8192xf32>
    %eq3A_19 = arith.cmpf oeq, %select_n3A_14, %eq3A_18 : vector<128x8192xf32>
    %jit3A_20 = arith.constant 1073741824 : i32
    %broadcast_in_dim3A_21 = vector.broadcast %jit3A_20 : i32 to vector<128x8192xi32>
    %select_n3A_22 = arith.select %eq3A_19, %iota3A, %broadcast_in_dim3A_21 : vector<128x8192xi1>, vector<128x8192xi32>
    %reduce_min3A_23 = arith.constant dense<2147483647> : vector<128xi32>
    %reduce_min3A_24 = vector.multi_reduction <minsi>, %select_n3A_22, %reduce_min3A_23 [1] : vector<128x8192xi32> to vector<128xi32>
    %broadcast_in_dim3A_25 = vector.shape_cast %reduce_min3A_24 : vector<128xi32> to vector<128x1xi32>
    %eq3A_26 = vector.broadcast %broadcast_in_dim3A_25 : vector<128x1xi32> to vector<128x8192xi32>
    %eq3A_27 = arith.cmpi eq, %iota3A, %eq3A_26 : vector<128x8192xi32>
    %jit3A_28 = arith.constant 0x7F800000 : f32
    %broadcast_in_dim3A_29 = vector.broadcast %jit3A_28 : f32 to vector<128x8192xf32>
    %select_n3A_30 = arith.select %eq3A_27, %broadcast_in_dim3A_29, %select_n3A_14 : vector<128x8192xi1>, vector<128x8192xf32>
    %reduce_min3A_31 = arith.constant dense<0x7F800000> : vector<128xf32>
    %reduce_min3A_32 = vector.multi_reduction <minimumf>, %select_n3A_30, %reduce_min3A_31 [1] : vector<128x8192xf32> to vector<128xf32>
    %broadcast_in_dim3A_33 = vector.shape_cast %reduce_min3A_32 : vector<128xf32> to vector<128x1xf32>
    %eq3A_34 = vector.broadcast %broadcast_in_dim3A_33 : vector<128x1xf32> to vector<128x8192xf32>
    %eq3A_35 = arith.cmpf oeq, %select_n3A_30, %eq3A_34 : vector<128x8192xf32>
    %jit3A_36 = arith.constant 1073741824 : i32
    %broadcast_in_dim3A_37 = vector.broadcast %jit3A_36 : i32 to vector<128x8192xi32>
    %select_n3A_38 = arith.select %eq3A_35, %iota3A, %broadcast_in_dim3A_37 : vector<128x8192xi1>, vector<128x8192xi32>
    %reduce_min3A_39 = arith.constant dense<2147483647> : vector<128xi32>
    %reduce_min3A_40 = vector.multi_reduction <minsi>, %select_n3A_38, %reduce_min3A_39 [1] : vector<128x8192xi32> to vector<128xi32>
    %broadcast_in_dim3A_41 = vector.shape_cast %reduce_min3A_40 : vector<128xi32> to vector<128x1xi32>
    %eq3A_42 = vector.broadcast %broadcast_in_dim3A_41 : vector<128x1xi32> to vector<128x8192xi32>
    %eq3A_43 = arith.cmpi eq, %iota3A, %eq3A_42 : vector<128x8192xi32>
    %jit3A_44 = arith.constant 0x7F800000 : f32
    %broadcast_in_dim3A_45 = vector.broadcast %jit3A_44 : f32 to vector<128x8192xf32>
    %select_n3A_46 = arith.select %eq3A_43, %broadcast_in_dim3A_45, %select_n3A_30 : vector<128x8192xi1>, vector<128x8192xf32>
    %reduce_min3A_47 = arith.constant dense<0x7F800000> : vector<128xf32>
    %reduce_min3A_48 = vector.multi_reduction <minimumf>, %select_n3A_46, %reduce_min3A_47 [1] : vector<128x8192xf32> to vector<128xf32>
    %broadcast_in_dim3A_49 = vector.shape_cast %reduce_min3A_48 : vector<128xf32> to vector<128x1xf32>
    %eq3A_50 = vector.broadcast %broadcast_in_dim3A_49 : vector<128x1xf32> to vector<128x8192xf32>
    %eq3A_51 = arith.cmpf oeq, %select_n3A_46, %eq3A_50 : vector<128x8192xf32>
    %jit3A_52 = arith.constant 1073741824 : i32
    %broadcast_in_dim3A_53 = vector.broadcast %jit3A_52 : i32 to vector<128x8192xi32>
    %select_n3A_54 = arith.select %eq3A_51, %iota3A, %broadcast_in_dim3A_53 : vector<128x8192xi1>, vector<128x8192xi32>
    %reduce_min3A_55 = arith.constant dense<2147483647> : vector<128xi32>
    %reduce_min3A_56 = vector.multi_reduction <minsi>, %select_n3A_54, %reduce_min3A_55 [1] : vector<128x8192xi32> to vector<128xi32>
    %broadcast_in_dim3A_57 = vector.shape_cast %reduce_min3A_56 : vector<128xi32> to vector<128x1xi32>
    %eq3A_58 = vector.broadcast %broadcast_in_dim3A_57 : vector<128x1xi32> to vector<128x8192xi32>
    %eq3A_59 = arith.cmpi eq, %iota3A, %eq3A_58 : vector<128x8192xi32>
    %jit3A_60 = arith.constant 0x7F800000 : f32
    %broadcast_in_dim3A_61 = vector.broadcast %jit3A_60 : f32 to vector<128x8192xf32>
    %select_n3A_62 = arith.select %eq3A_59, %broadcast_in_dim3A_61, %select_n3A_46 : vector<128x8192xi1>, vector<128x8192xf32>
    %reduce_min3A_63 = arith.constant dense<0x7F800000> : vector<128xf32>
    %reduce_min3A_64 = vector.multi_reduction <minimumf>, %select_n3A_62, %reduce_min3A_63 [1] : vector<128x8192xf32> to vector<128xf32>
    %broadcast_in_dim3A_65 = vector.shape_cast %reduce_min3A_64 : vector<128xf32> to vector<128x1xf32>
    %eq3A_66 = vector.broadcast %broadcast_in_dim3A_65 : vector<128x1xf32> to vector<128x8192xf32>
    %eq3A_67 = arith.cmpf oeq, %select_n3A_62, %eq3A_66 : vector<128x8192xf32>
    %jit3A_68 = arith.constant 1073741824 : i32
    %broadcast_in_dim3A_69 = vector.broadcast %jit3A_68 : i32 to vector<128x8192xi32>
    %select_n3A_70 = arith.select %eq3A_67, %iota3A, %broadcast_in_dim3A_69 : vector<128x8192xi1>, vector<128x8192xi32>
    %reduce_min3A_71 = arith.constant dense<2147483647> : vector<128xi32>
    %reduce_min3A_72 = vector.multi_reduction <minsi>, %select_n3A_70, %reduce_min3A_71 [1] : vector<128x8192xi32> to vector<128xi32>
    %broadcast_in_dim3A_73 = vector.shape_cast %reduce_min3A_72 : vector<128xi32> to vector<128x1xi32>
    %eq3A_74 = vector.broadcast %broadcast_in_dim3A_73 : vector<128x1xi32> to vector<128x8192xi32>
    %eq3A_75 = arith.cmpi eq, %iota3A, %eq3A_74 : vector<128x8192xi32>
    %jit3A_76 = arith.constant 0x7F800000 : f32
    %broadcast_in_dim3A_77 = vector.broadcast %jit3A_76 : f32 to vector<128x8192xf32>
    %select_n3A_78 = arith.select %eq3A_75, %broadcast_in_dim3A_77, %select_n3A_62 : vector<128x8192xi1>, vector<128x8192xf32>
    %reduce_min3A_79 = arith.constant dense<0x7F800000> : vector<128xf32>
    %reduce_min3A_80 = vector.multi_reduction <minimumf>, %select_n3A_78, %reduce_min3A_79 [1] : vector<128x8192xf32> to vector<128xf32>
    %broadcast_in_dim3A_81 = vector.shape_cast %reduce_min3A_80 : vector<128xf32> to vector<128x1xf32>
    %eq3A_82 = vector.broadcast %broadcast_in_dim3A_81 : vector<128x1xf32> to vector<128x8192xf32>
    %eq3A_83 = arith.cmpf oeq, %select_n3A_78, %eq3A_82 : vector<128x8192xf32>
    %jit3A_84 = arith.constant 1073741824 : i32
    %broadcast_in_dim3A_85 = vector.broadcast %jit3A_84 : i32 to vector<128x8192xi32>
    %select_n3A_86 = arith.select %eq3A_83, %iota3A, %broadcast_in_dim3A_85 : vector<128x8192xi1>, vector<128x8192xi32>
    %reduce_min3A_87 = arith.constant dense<2147483647> : vector<128xi32>
    %reduce_min3A_88 = vector.multi_reduction <minsi>, %select_n3A_86, %reduce_min3A_87 [1] : vector<128x8192xi32> to vector<128xi32>
    %broadcast_in_dim3A_89 = vector.shape_cast %reduce_min3A_88 : vector<128xi32> to vector<128x1xi32>
    %eq3A_90 = vector.broadcast %broadcast_in_dim3A_89 : vector<128x1xi32> to vector<128x8192xi32>
    %eq3A_91 = arith.cmpi eq, %iota3A, %eq3A_90 : vector<128x8192xi32>
    %jit3A_92 = arith.constant 0x7F800000 : f32
    %broadcast_in_dim3A_93 = vector.broadcast %jit3A_92 : f32 to vector<128x8192xf32>
    %select_n3A_94 = arith.select %eq3A_91, %broadcast_in_dim3A_93, %select_n3A_78 : vector<128x8192xi1>, vector<128x8192xf32>
    %reduce_min3A_95 = arith.constant dense<0x7F800000> : vector<128xf32>
    %reduce_min3A_96 = vector.multi_reduction <minimumf>, %select_n3A_94, %reduce_min3A_95 [1] : vector<128x8192xf32> to vector<128xf32>
    %broadcast_in_dim3A_97 = vector.shape_cast %reduce_min3A_96 : vector<128xf32> to vector<128x1xf32>
    %eq3A_98 = vector.broadcast %broadcast_in_dim3A_97 : vector<128x1xf32> to vector<128x8192xf32>
    %eq3A_99 = arith.cmpf oeq, %select_n3A_94, %eq3A_98 : vector<128x8192xf32>
    %jit3A_100 = arith.constant 1073741824 : i32
    %broadcast_in_dim3A_101 = vector.broadcast %jit3A_100 : i32 to vector<128x8192xi32>
    %select_n3A_102 = arith.select %eq3A_99, %iota3A, %broadcast_in_dim3A_101 : vector<128x8192xi1>, vector<128x8192xi32>
    %reduce_min3A_103 = arith.constant dense<2147483647> : vector<128xi32>
    %reduce_min3A_104 = vector.multi_reduction <minsi>, %select_n3A_102, %reduce_min3A_103 [1] : vector<128x8192xi32> to vector<128xi32>
    %broadcast_in_dim3A_105 = vector.shape_cast %reduce_min3A_104 : vector<128xi32> to vector<128x1xi32>
    %eq3A_106 = vector.broadcast %broadcast_in_dim3A_105 : vector<128x1xi32> to vector<128x8192xi32>
    %eq3A_107 = arith.cmpi eq, %iota3A, %eq3A_106 : vector<128x8192xi32>
    %jit3A_108 = arith.constant 0x7F800000 : f32
    %broadcast_in_dim3A_109 = vector.broadcast %jit3A_108 : f32 to vector<128x8192xf32>
    %select_n3A_110 = arith.select %eq3A_107, %broadcast_in_dim3A_109, %select_n3A_94 : vector<128x8192xi1>, vector<128x8192xf32>
    %reduce_min3A_111 = arith.constant dense<0x7F800000> : vector<128xf32>
    %reduce_min3A_112 = vector.multi_reduction <minimumf>, %select_n3A_110, %reduce_min3A_111 [1] : vector<128x8192xf32> to vector<128xf32>
    %broadcast_in_dim3A_113 = vector.shape_cast %reduce_min3A_112 : vector<128xf32> to vector<128x1xf32>
    %eq3A_114 = vector.broadcast %broadcast_in_dim3A_113 : vector<128x1xf32> to vector<128x8192xf32>
    %eq3A_115 = arith.cmpf oeq, %select_n3A_110, %eq3A_114 : vector<128x8192xf32>
    %jit3A_116 = arith.constant 1073741824 : i32
    %broadcast_in_dim3A_117 = vector.broadcast %jit3A_116 : i32 to vector<128x8192xi32>
    %select_n3A_118 = arith.select %eq3A_115, %iota3A, %broadcast_in_dim3A_117 : vector<128x8192xi1>, vector<128x8192xi32>
    %reduce_min3A_119 = arith.constant dense<2147483647> : vector<128xi32>
    %reduce_min3A_120 = vector.multi_reduction <minsi>, %select_n3A_118, %reduce_min3A_119 [1] : vector<128x8192xi32> to vector<128xi32>
    %broadcast_in_dim3A_121 = vector.shape_cast %reduce_min3A_120 : vector<128xi32> to vector<128x1xi32>
    %eq3A_122 = vector.broadcast %broadcast_in_dim3A_121 : vector<128x1xi32> to vector<128x8192xi32>
    %eq3A_123 = arith.cmpi eq, %iota3A, %eq3A_122 : vector<128x8192xi32>
    %jit3A_124 = arith.constant 0x7F800000 : f32
    %broadcast_in_dim3A_125 = vector.broadcast %jit3A_124 : f32 to vector<128x8192xf32>
    %select_n3A_126 = arith.select %eq3A_123, %broadcast_in_dim3A_125, %select_n3A_110 : vector<128x8192xi1>, vector<128x8192xf32>
    %reduce_min3A_127 = arith.constant dense<0x7F800000> : vector<128xf32>
    %reduce_min3A_128 = vector.multi_reduction <minimumf>, %select_n3A_126, %reduce_min3A_127 [1] : vector<128x8192xf32> to vector<128xf32>
    %broadcast_in_dim3A_129 = vector.shape_cast %reduce_min3A_128 : vector<128xf32> to vector<128x1xf32>
    %eq3A_130 = vector.broadcast %broadcast_in_dim3A_129 : vector<128x1xf32> to vector<128x8192xf32>
    %eq3A_131 = arith.cmpf oeq, %select_n3A_126, %eq3A_130 : vector<128x8192xf32>
    %jit3A_132 = arith.constant 1073741824 : i32
    %broadcast_in_dim3A_133 = vector.broadcast %jit3A_132 : i32 to vector<128x8192xi32>
    %select_n3A_134 = arith.select %eq3A_131, %iota3A, %broadcast_in_dim3A_133 : vector<128x8192xi1>, vector<128x8192xi32>
    %reduce_min3A_135 = arith.constant dense<2147483647> : vector<128xi32>
    %reduce_min3A_136 = vector.multi_reduction <minsi>, %select_n3A_134, %reduce_min3A_135 [1] : vector<128x8192xi32> to vector<128xi32>
    %broadcast_in_dim3A_137 = vector.shape_cast %reduce_min3A_136 : vector<128xi32> to vector<128x1xi32>
    %eq3A_138 = vector.broadcast %broadcast_in_dim3A_137 : vector<128x1xi32> to vector<128x8192xi32>
    %eq3A_139 = arith.cmpi eq, %iota3A, %eq3A_138 : vector<128x8192xi32>
    %jit3A_140 = arith.constant 0x7F800000 : f32
    %broadcast_in_dim3A_141 = vector.broadcast %jit3A_140 : f32 to vector<128x8192xf32>
    %select_n3A_142 = arith.select %eq3A_139, %broadcast_in_dim3A_141, %select_n3A_126 : vector<128x8192xi1>, vector<128x8192xf32>
    %reduce_min3A_143 = arith.constant dense<0x7F800000> : vector<128xf32>
    %reduce_min3A_144 = vector.multi_reduction <minimumf>, %select_n3A_142, %reduce_min3A_143 [1] : vector<128x8192xf32> to vector<128xf32>
    %broadcast_in_dim3A_145 = vector.shape_cast %reduce_min3A_144 : vector<128xf32> to vector<128x1xf32>
    %eq3A_146 = vector.broadcast %broadcast_in_dim3A_145 : vector<128x1xf32> to vector<128x8192xf32>
    %eq3A_147 = arith.cmpf oeq, %select_n3A_142, %eq3A_146 : vector<128x8192xf32>
    %jit3A_148 = arith.constant 1073741824 : i32
    %broadcast_in_dim3A_149 = vector.broadcast %jit3A_148 : i32 to vector<128x8192xi32>
    %select_n3A_150 = arith.select %eq3A_147, %iota3A, %broadcast_in_dim3A_149 : vector<128x8192xi1>, vector<128x8192xi32>
    %reduce_min3A_151 = arith.constant dense<2147483647> : vector<128xi32>
    %reduce_min3A_152 = vector.multi_reduction <minsi>, %select_n3A_150, %reduce_min3A_151 [1] : vector<128x8192xi32> to vector<128xi32>
    %broadcast_in_dim3A_153 = vector.shape_cast %reduce_min3A_152 : vector<128xi32> to vector<128x1xi32>
    %eq3A_154 = vector.broadcast %broadcast_in_dim3A_153 : vector<128x1xi32> to vector<128x8192xi32>
    %eq3A_155 = arith.cmpi eq, %iota3A, %eq3A_154 : vector<128x8192xi32>
    %jit3A_156 = arith.constant 0x7F800000 : f32
    %broadcast_in_dim3A_157 = vector.broadcast %jit3A_156 : f32 to vector<128x8192xf32>
    %select_n3A_158 = arith.select %eq3A_155, %broadcast_in_dim3A_157, %select_n3A_142 : vector<128x8192xi1>, vector<128x8192xf32>
    %reduce_min3A_159 = arith.constant dense<0x7F800000> : vector<128xf32>
    %reduce_min3A_160 = vector.multi_reduction <minimumf>, %select_n3A_158, %reduce_min3A_159 [1] : vector<128x8192xf32> to vector<128xf32>
    %broadcast_in_dim3A_161 = vector.shape_cast %reduce_min3A_160 : vector<128xf32> to vector<128x1xf32>
    %eq3A_162 = vector.broadcast %broadcast_in_dim3A_161 : vector<128x1xf32> to vector<128x8192xf32>
    %eq3A_163 = arith.cmpf oeq, %select_n3A_158, %eq3A_162 : vector<128x8192xf32>
    %jit3A_164 = arith.constant 1073741824 : i32
    %broadcast_in_dim3A_165 = vector.broadcast %jit3A_164 : i32 to vector<128x8192xi32>
    %select_n3A_166 = arith.select %eq3A_163, %iota3A, %broadcast_in_dim3A_165 : vector<128x8192xi1>, vector<128x8192xi32>
    %reduce_min3A_167 = arith.constant dense<2147483647> : vector<128xi32>
    %reduce_min3A_168 = vector.multi_reduction <minsi>, %select_n3A_166, %reduce_min3A_167 [1] : vector<128x8192xi32> to vector<128xi32>
    %broadcast_in_dim3A_169 = vector.shape_cast %reduce_min3A_168 : vector<128xi32> to vector<128x1xi32>
    %eq3A_170 = vector.broadcast %broadcast_in_dim3A_169 : vector<128x1xi32> to vector<128x8192xi32>
    %eq3A_171 = arith.cmpi eq, %iota3A, %eq3A_170 : vector<128x8192xi32>
    %jit3A_172 = arith.constant 0x7F800000 : f32
    %broadcast_in_dim3A_173 = vector.broadcast %jit3A_172 : f32 to vector<128x8192xf32>
    %select_n3A_174 = arith.select %eq3A_171, %broadcast_in_dim3A_173, %select_n3A_158 : vector<128x8192xi1>, vector<128x8192xf32>
    %reduce_min3A_175 = arith.constant dense<0x7F800000> : vector<128xf32>
    %reduce_min3A_176 = vector.multi_reduction <minimumf>, %select_n3A_174, %reduce_min3A_175 [1] : vector<128x8192xf32> to vector<128xf32>
    %broadcast_in_dim3A_177 = vector.shape_cast %reduce_min3A_176 : vector<128xf32> to vector<128x1xf32>
    %eq3A_178 = vector.broadcast %broadcast_in_dim3A_177 : vector<128x1xf32> to vector<128x8192xf32>
    %eq3A_179 = arith.cmpf oeq, %select_n3A_174, %eq3A_178 : vector<128x8192xf32>
    %jit3A_180 = arith.constant 1073741824 : i32
    %broadcast_in_dim3A_181 = vector.broadcast %jit3A_180 : i32 to vector<128x8192xi32>
    %select_n3A_182 = arith.select %eq3A_179, %iota3A, %broadcast_in_dim3A_181 : vector<128x8192xi1>, vector<128x8192xi32>
    %reduce_min3A_183 = arith.constant dense<2147483647> : vector<128xi32>
    %reduce_min3A_184 = vector.multi_reduction <minsi>, %select_n3A_182, %reduce_min3A_183 [1] : vector<128x8192xi32> to vector<128xi32>
    %broadcast_in_dim3A_185 = vector.shape_cast %reduce_min3A_184 : vector<128xi32> to vector<128x1xi32>
    %eq3A_186 = vector.broadcast %broadcast_in_dim3A_185 : vector<128x1xi32> to vector<128x8192xi32>
    %eq3A_187 = arith.cmpi eq, %iota3A, %eq3A_186 : vector<128x8192xi32>
    %jit3A_188 = arith.constant 0x7F800000 : f32
    %broadcast_in_dim3A_189 = vector.broadcast %jit3A_188 : f32 to vector<128x8192xf32>
    %select_n3A_190 = arith.select %eq3A_187, %broadcast_in_dim3A_189, %select_n3A_174 : vector<128x8192xi1>, vector<128x8192xf32>
    %reduce_min3A_191 = arith.constant dense<0x7F800000> : vector<128xf32>
    %reduce_min3A_192 = vector.multi_reduction <minimumf>, %select_n3A_190, %reduce_min3A_191 [1] : vector<128x8192xf32> to vector<128xf32>
    %broadcast_in_dim3A_193 = vector.shape_cast %reduce_min3A_192 : vector<128xf32> to vector<128x1xf32>
    %eq3A_194 = vector.broadcast %broadcast_in_dim3A_193 : vector<128x1xf32> to vector<128x8192xf32>
    %eq3A_195 = arith.cmpf oeq, %select_n3A_190, %eq3A_194 : vector<128x8192xf32>
    %jit3A_196 = arith.constant 1073741824 : i32
    %broadcast_in_dim3A_197 = vector.broadcast %jit3A_196 : i32 to vector<128x8192xi32>
    %select_n3A_198 = arith.select %eq3A_195, %iota3A, %broadcast_in_dim3A_197 : vector<128x8192xi1>, vector<128x8192xi32>
    %reduce_min3A_199 = arith.constant dense<2147483647> : vector<128xi32>
    %reduce_min3A_200 = vector.multi_reduction <minsi>, %select_n3A_198, %reduce_min3A_199 [1] : vector<128x8192xi32> to vector<128xi32>
    %broadcast_in_dim3A_201 = vector.shape_cast %reduce_min3A_200 : vector<128xi32> to vector<128x1xi32>
    %eq3A_202 = vector.broadcast %broadcast_in_dim3A_201 : vector<128x1xi32> to vector<128x8192xi32>
    %eq3A_203 = arith.cmpi eq, %iota3A, %eq3A_202 : vector<128x8192xi32>
    %jit3A_204 = arith.constant 0x7F800000 : f32
    %broadcast_in_dim3A_205 = vector.broadcast %jit3A_204 : f32 to vector<128x8192xf32>
    %select_n3A_206 = arith.select %eq3A_203, %broadcast_in_dim3A_205, %select_n3A_190 : vector<128x8192xi1>, vector<128x8192xf32>
    %reduce_min3A_207 = arith.constant dense<0x7F800000> : vector<128xf32>
    %reduce_min3A_208 = vector.multi_reduction <minimumf>, %select_n3A_206, %reduce_min3A_207 [1] : vector<128x8192xf32> to vector<128xf32>
    %broadcast_in_dim3A_209 = vector.shape_cast %reduce_min3A_208 : vector<128xf32> to vector<128x1xf32>
    %eq3A_210 = vector.broadcast %broadcast_in_dim3A_209 : vector<128x1xf32> to vector<128x8192xf32>
    %eq3A_211 = arith.cmpf oeq, %select_n3A_206, %eq3A_210 : vector<128x8192xf32>
    %jit3A_212 = arith.constant 1073741824 : i32
    %broadcast_in_dim3A_213 = vector.broadcast %jit3A_212 : i32 to vector<128x8192xi32>
    %select_n3A_214 = arith.select %eq3A_211, %iota3A, %broadcast_in_dim3A_213 : vector<128x8192xi1>, vector<128x8192xi32>
    %reduce_min3A_215 = arith.constant dense<2147483647> : vector<128xi32>
    %reduce_min3A_216 = vector.multi_reduction <minsi>, %select_n3A_214, %reduce_min3A_215 [1] : vector<128x8192xi32> to vector<128xi32>
    %broadcast_in_dim3A_217 = vector.shape_cast %reduce_min3A_216 : vector<128xi32> to vector<128x1xi32>
    %eq3A_218 = vector.broadcast %broadcast_in_dim3A_217 : vector<128x1xi32> to vector<128x8192xi32>
    %eq3A_219 = arith.cmpi eq, %iota3A, %eq3A_218 : vector<128x8192xi32>
    %jit3A_220 = arith.constant 0x7F800000 : f32
    %broadcast_in_dim3A_221 = vector.broadcast %jit3A_220 : f32 to vector<128x8192xf32>
    %select_n3A_222 = arith.select %eq3A_219, %broadcast_in_dim3A_221, %select_n3A_206 : vector<128x8192xi1>, vector<128x8192xf32>
    %reduce_min3A_223 = arith.constant dense<0x7F800000> : vector<128xf32>
    %reduce_min3A_224 = vector.multi_reduction <minimumf>, %select_n3A_222, %reduce_min3A_223 [1] : vector<128x8192xf32> to vector<128xf32>
    %broadcast_in_dim3A_225 = vector.shape_cast %reduce_min3A_224 : vector<128xf32> to vector<128x1xf32>
    %eq3A_226 = vector.broadcast %broadcast_in_dim3A_225 : vector<128x1xf32> to vector<128x8192xf32>
    %eq3A_227 = arith.cmpf oeq, %select_n3A_222, %eq3A_226 : vector<128x8192xf32>
    %jit3A_228 = arith.constant 1073741824 : i32
    %broadcast_in_dim3A_229 = vector.broadcast %jit3A_228 : i32 to vector<128x8192xi32>
    %select_n3A_230 = arith.select %eq3A_227, %iota3A, %broadcast_in_dim3A_229 : vector<128x8192xi1>, vector<128x8192xi32>
    %reduce_min3A_231 = arith.constant dense<2147483647> : vector<128xi32>
    %reduce_min3A_232 = vector.multi_reduction <minsi>, %select_n3A_230, %reduce_min3A_231 [1] : vector<128x8192xi32> to vector<128xi32>
    %broadcast_in_dim3A_233 = vector.shape_cast %reduce_min3A_232 : vector<128xi32> to vector<128x1xi32>
    %eq3A_234 = vector.broadcast %broadcast_in_dim3A_233 : vector<128x1xi32> to vector<128x8192xi32>
    %eq3A_235 = arith.cmpi eq, %iota3A, %eq3A_234 : vector<128x8192xi32>
    %jit3A_236 = arith.constant 0x7F800000 : f32
    %broadcast_in_dim3A_237 = vector.broadcast %jit3A_236 : f32 to vector<128x8192xf32>
    %select_n3A_238 = arith.select %eq3A_235, %broadcast_in_dim3A_237, %select_n3A_222 : vector<128x8192xi1>, vector<128x8192xf32>
    %reduce_min3A_239 = arith.constant dense<0x7F800000> : vector<128xf32>
    %reduce_min3A_240 = vector.multi_reduction <minimumf>, %select_n3A_238, %reduce_min3A_239 [1] : vector<128x8192xf32> to vector<128xf32>
    %broadcast_in_dim3A_241 = vector.shape_cast %reduce_min3A_240 : vector<128xf32> to vector<128x1xf32>
    %eq3A_242 = vector.broadcast %broadcast_in_dim3A_241 : vector<128x1xf32> to vector<128x8192xf32>
    %eq3A_243 = arith.cmpf oeq, %select_n3A_238, %eq3A_242 : vector<128x8192xf32>
    %jit3A_244 = arith.constant 1073741824 : i32
    %broadcast_in_dim3A_245 = vector.broadcast %jit3A_244 : i32 to vector<128x8192xi32>
    %select_n3A_246 = arith.select %eq3A_243, %iota3A, %broadcast_in_dim3A_245 : vector<128x8192xi1>, vector<128x8192xi32>
    %reduce_min3A_247 = arith.constant dense<2147483647> : vector<128xi32>
    %reduce_min3A_248 = vector.multi_reduction <minsi>, %select_n3A_246, %reduce_min3A_247 [1] : vector<128x8192xi32> to vector<128xi32>
    %broadcast_in_dim3A_249 = vector.shape_cast %reduce_min3A_248 : vector<128xi32> to vector<128x1xi32>
    %eq3A_250 = vector.broadcast %broadcast_in_dim3A_249 : vector<128x1xi32> to vector<128x8192xi32>
    %eq3A_251 = arith.cmpi eq, %iota3A, %eq3A_250 : vector<128x8192xi32>
    %jit3A_252 = arith.constant 0x7F800000 : f32
    %broadcast_in_dim3A_253 = vector.broadcast %jit3A_252 : f32 to vector<128x8192xf32>
    %select_n3A_254 = arith.select %eq3A_251, %broadcast_in_dim3A_253, %select_n3A_238 : vector<128x8192xi1>, vector<128x8192xf32>
    %reduce_min3A_255 = arith.constant dense<0x7F800000> : vector<128xf32>
    %reduce_min3A_256 = vector.multi_reduction <minimumf>, %select_n3A_254, %reduce_min3A_255 [1] : vector<128x8192xf32> to vector<128xf32>
    %broadcast_in_dim3A_257 = vector.shape_cast %reduce_min3A_256 : vector<128xf32> to vector<128x1xf32>
    %eq3A_258 = vector.broadcast %broadcast_in_dim3A_257 : vector<128x1xf32> to vector<128x8192xf32>
    %eq3A_259 = arith.cmpf oeq, %select_n3A_254, %eq3A_258 : vector<128x8192xf32>
    %jit3A_260 = arith.constant 1073741824 : i32
    %broadcast_in_dim3A_261 = vector.broadcast %jit3A_260 : i32 to vector<128x8192xi32>
    %select_n3A_262 = arith.select %eq3A_259, %iota3A, %broadcast_in_dim3A_261 : vector<128x8192xi1>, vector<128x8192xi32>
    %reduce_min3A_263 = arith.constant dense<2147483647> : vector<128xi32>
    %reduce_min3A_264 = vector.multi_reduction <minsi>, %select_n3A_262, %reduce_min3A_263 [1] : vector<128x8192xi32> to vector<128xi32>
    %broadcast_in_dim3A_265 = vector.shape_cast %reduce_min3A_264 : vector<128xi32> to vector<128x1xi32>
    %concatenate3A = tpu.concatenate %broadcast_in_dim3A_9, %broadcast_in_dim3A_25, %broadcast_in_dim3A_41, %broadcast_in_dim3A_57, %broadcast_in_dim3A_73, %broadcast_in_dim3A_89, %broadcast_in_dim3A_105, %broadcast_in_dim3A_121, %broadcast_in_dim3A_137, %broadcast_in_dim3A_153, %broadcast_in_dim3A_169, %broadcast_in_dim3A_185, %broadcast_in_dim3A_201, %broadcast_in_dim3A_217, %broadcast_in_dim3A_233, %broadcast_in_dim3A_249, %broadcast_in_dim3A_265 in 1 : vector<128x1xi32>, vector<128x1xi32>, vector<128x1xi32>, vector<128x1xi32>, vector<128x1xi32>, vector<128x1xi32>, vector<128x1xi32>, vector<128x1xi32>, vector<128x1xi32>, vector<128x1xi32>, vector<128x1xi32>, vector<128x1xi32>, vector<128x1xi32>, vector<128x1xi32>, vector<128x1xi32>, vector<128x1xi32>, vector<128x1xi32> -> vector<128x17xi32>
    %swap3A = arith.constant 0 : index
    %swap3A_266 = arith.constant 0 : index
    %swap3A_267 = arith.constant 0 : index
    %swap3A_268 = vector.load %arg3[%swap3A, %swap3A_266, %swap3A_267] : memref<1x128x17xi32, #tpu.memory_space<vmem>>, vector<1x128x17xi32>
    %swap3A_269 = vector.shape_cast %swap3A_268 : vector<1x128x17xi32> to vector<128x17xi32>
    %swap3A_270 = vector.shape_cast %concatenate3A : vector<128x17xi32> to vector<1x128x17xi32>
    tpu.vector_store %arg3[%swap3A, %swap3A_266, %swap3A_267], %swap3A_270 {strides = array<i32>} : memref<1x128x17xi32, #tpu.memory_space<vmem>>, vector<1x128x17xi32>,
    return
  }
  func.func @transform_0(%arg0: i32, %arg1: i32) -> (i32, i32, i32) {
    %c0_i32 = arith.constant 0 : i32
    %c0_i32_0 = arith.constant 0 : i32
    return %arg0, %arg1, %c0_i32 : i32, i32, i32
  }
  func.func @transform_1(%arg0: i32, %arg1: i32) -> (i32, i32, i32) {
    %c0_i32 = arith.constant 0 : i32
    %c0_i32_0 = arith.constant 0 : i32
    return %arg0, %arg1, %c0_i32 : i32, i32, i32
  }
}

</mosaic_0001>

<sc_bundles>
// kernel: gather_offload_async_start
scs
__scs_entry_jumppad:
0x0: {  	(pc) =	sbr.rel $0x88, $3  }
0x1: {  	(tag) =	ssettag $0x0;
	lr =	simm.s32 $0x1  }
0x2: {  	[smem:$0x3F8F] =	sst lr;
	_ =	strace $0xD0000000  }
0x3: {  	_ = 	snop  }
0x4: {  	_ = 	snop  }
0x5: {  	_ = 	snop  }
0x6: {  	_ = 	snop  }
0x7: {  	_ = 	snop  }
__scs_overlays_trampoline_lowered:
0x8: {  	[smem:$0x3F9E] =	sst s0  }
0x9: {  	[smem:$0x3F9F] =	sst s1  }
0xa: {  	[smem:$0x3FA0] =	sst s2  }
0xb: {  	[smem:$0x3FA1] =	sst s3  }
0xc: {  	[smem:$0x3FA2] =	sst s4  }
0xd: {  	[smem:$0x3FA3] =	sst s5  }
0xe: {  	[smem:$0x3FA4] =	sst s6  }
0xf: {  	[smem:$0x3FA5] =	sst s7  }
0x10: {  	[smem:$0x3FA6] =	sst s8  }
0x11: {  	[smem:$0x3FA7] =	sst s9;
	s0 =	simm.s32 @!p0 $0x0  }
0x12: {  	s1 =	sld [smem:$0x3F8D];
	s0 =	simm.s32 @p0 $0x1  }
0x13: {  	[smem:$0x3FA8] =	sst s0;
	s0 =	simm.s32 @!p1 $0x0  }
0x14: {  	s2 =	sld [smem:$0x3F8C];
	s0 =	simm.s32 @p1 $0x1  }
0x15: {  	[smem:$0x3FA9] =	sst s0;
	s0 =	simm.s32 @!p2 $0x0  }
0x16: {  	s3 =	sld [smem:$0x3FDB];
	s0 =	simm.s32 @p2 $0x1  }
0x17: {  	s4 =	simm.s32 $0x1BF5;
	[smem:$0x3FAB] =	sst s0  }
0x18: {  	s0 =	sld [smem:$0x3F8E];
	_ =	swait.ge [sflag:s4], $0x0  }
0x19: {  	s7 =	sld [smem:$0x3F8F]  }
0x1a: {  	s8 =	sadd.s32 $0xFFFFE003, lr  }
0x1b: {  	s9 =	sadd.s32 $0xFFFFFEF7, lr;
	s5 =	simm.s32 $0xFFFFFFFF;
	p2 =	slt.u32 s8, $0xFFFFF086  }
0x1c: {  	p1 =	slt.u32 s9, $0xF7A;
	s5 =	simm.s32 @!p2 $0x0  }
0x1d: {  	s5 =	simm.s32 @p1 $0x1;
	p0 =	seq.s32 s7, s2  }
0x1e: {  	s7 =	smul.u32 @!p0 $0xF7A, s2;
	p2 =	seq.s32 @!p0 s5, $0x0  }
0x1f: {  	s9 =	smul.u32 $0xF7A, s1;
	s8 =	simm.s32 @!p0 $0x1BF5;
	p2 =	por !p2, p0  }
0x20: {  	[sflag:s8] =	ssyncset.s32 @!p0 $0xFFFFF086;
	s6 =	sadd.s32 @!p0 s3, s7;
	s7 =	simm.s32 @!p0 $0x108  }
0x21: {  	s3 =	sadd.s32 s3, s9;
	s6 =	sadd.s32 @!p0 $0x88, s6;
	s7 =	simm.s32 @p2 $0x1082  }
0x22: {  	[simem:s7], [sflag:s8] =	dma.local @!p0 [hbm:s6], $0xF7A  }
0x23: {  	s9 =	sor.u32 $0xD0000000, s2;
	s6 =	simm.s32 $0x108;
	_ =	swait.ge @!p0 [sflag:s8], $0x0  }
0x24: {  	s3 =	sadd.s32 $0x88, s3;
	s6 =	simm.s32 @!p1 $0x1082;
	[sflag:s4] =	ssyncset.s32 $0xFFFFF086  }
0x25: {  	[simem:s6], [sflag:s4] =	dma.local [hbm:s3], $0xF7A  }
0x26: {  	[smem:$0x3F8F] =	sst s1;
	(tag) =	ssettag s2;
	_ =	strace s9  }
0x27: {  	s1 =	sld [smem:$0x3F9F]  }
0x28: {  	s2 =	sld [smem:$0x3FA0]  }
0x29: {  	s4 =	sld [smem:$0x3FA2]  }
0x2a: {  	p0 =	seq.s32 s5, $0x0;
	s5 =	sld [smem:$0x3FA3]  }
0x2b: {  	s6 =	sld [smem:$0x3FA4]  }
0x2c: {  	s7 =	sld [smem:$0x3FA5]  }
0x2d: {  	s3 =	simm.s32 $0x108;
	s8 =	sld [smem:$0x3FA6]  }
0x2e: {  	s3 =	simm.s32 @!p0 $0x1082;
	s9 =	sld [smem:$0x3FA7]  }
0x2f: {  	lr =	sadd.s32 s0, s3;
	s0 =	sld [smem:$0x3F9E]  }
0x30: {  	s3 =	sld [smem:$0x3FA1]  }
0x31: {  	[smem:$0x3FAA] =	sst s10  }
0x32: {  	s10 =	sld [smem:$0x3FA8];
	_ =	sdelay $0x3  }
0x33: {  	p0 =	seq.s32 s10, $0x1;
	s10 =	sld [smem:$0x3FAA];
	_ =	sdelay $0x3  }
0x34: {  	[smem:$0x3FAA] =	sst s10  }
0x35: {  	s10 =	sld [smem:$0x3FA9];
	_ =	sdelay $0x3  }
0x36: {  	p1 =	seq.s32 s10, $0x1;
	s10 =	sld [smem:$0x3FAA];
	_ =	sdelay $0x3  }
0x37: {  	[smem:$0x3FAA] =	sst s10  }
0x38: {  	s10 =	sld [smem:$0x3FAB]  }
0x39: {  	_ = 	snop;
	(pc) =	sbr.ind lr, $3  }
0x3a: {  	_ = 	snop  }
0x3b: {  	_ = 	snop  }
0x3c: {  	p2 =	seq.s32 s10, $0x1;
	s10 =	sld [smem:$0x3FAA]  }
0x3d: {  	_ =	shalt  }
0x3e: {  	_ =	shalt  }
0x3f: {  	_ =	shalt  }
0x40: {  	_ =	shalt  }
0x41: {  	_ =	shalt  }
0x42: {  	_ =	shalt  }
0x43: {  	_ =	shalt  }
0x44: {  	_ =	shalt  }
0x45: {  	_ =	shalt  }
0x46: {  	_ =	shalt  }
0x47: {  	_ =	shalt  }
0x48: {  	_ =	shalt  }
0x49: {  	_ =	shalt  }
0x4a: {  	_ =	shalt  }
0x4b: {  	_ =	shalt  }
0x4c: {  	_ =	shalt  }
0x4d: {  	_ =	shalt  }
0x4e: {  	_ =	shalt  }
0x4f: {  	_ =	shalt  }
0x50: {  	_ =	shalt  }
0x51: {  	_ =	shalt  }
0x52: {  	_ =	shalt  }
0x53: {  	_ =	shalt  }
0x54: {  	_ =	shalt  }
0x55: {  	_ =	shalt  }
0x56: {  	_ =	shalt  }
0x57: {  	_ =	shalt  }
0x58: {  	_ =	shalt  }
0x59: {  	_ =	shalt  }
0x5a: {  	_ =	shalt  }
0x5b: {  	_ =	shalt  }
0x5c: {  	_ =	shalt  }
0x5d: {  	_ =	shalt  }
0x5e: {  	_ =	shalt  }
0x5f: {  	_ =	shalt  }
0x60: {  	_ =	shalt  }
0x61: {  	_ =	shalt  }
0x62: {  	_ =	shalt  }
0x63: {  	_ =	shalt  }
0x64: {  	_ =	shalt  }
0x65: {  	_ =	shalt  }
0x66: {  	_ =	shalt  }
0x67: {  	_ =	shalt  }
0x68: {  	_ =	shalt  }
0x69: {  	_ =	shalt  }
0x6a: {  	_ =	shalt  }
0x6b: {  	_ =	shalt  }
0x6c: {  	_ =	shalt  }
0x6d: {  	_ =	shalt  }
0x6e: {  	_ =	shalt  }
0x6f: {  	_ =	shalt  }
0x70: {  	_ =	shalt  }
0x71: {  	_ =	shalt  }
0x72: {  	_ =	shalt  }
0x73: {  	_ =	shalt  }
0x74: {  	_ =	shalt  }
0x75: {  	_ =	shalt  }
0x76: {  	_ =	shalt  }
0x77: {  	_ =	shalt  }
0x78: {  	_ =	shalt  }
0x79: {  	_ =	shalt  }
0x7a: {  	_ =	shalt  }
0x7b: {  	_ =	shalt  }
0x7c: {  	_ =	shalt  }
0x7d: {  	_ =	shalt  }
0x7e: {  	_ =	shalt  }
0x7f: {  	_ =	shalt  }
0x80: {  	_ =	shalt  }
0x81: {  	_ =	shalt  }
0x82: {  	_ =	shalt  }
0x83: {  	_ =	shalt  }
0x84: {  	_ =	shalt  }
0x85: {  	_ =	shalt  }
0x86: {  	_ =	shalt  }
0x87: {  	_ =	shalt  }
.Lfunc_end0:
.L_simem_size_0:
called_computation_lowered:
.L_overlay_start_0:
0x88: {  	s2 =	sld [smem:$0x3FD9]  }
0x89: {  	s3 =	sld [smem:$0x3FFE];
	_ =	sdelay $0x1  }
0x8a: {  	s1 =	srdreg.scid  }
0x8b: {  	s0 =	sand.u32 $0x1, s1  }
0x8c: {  	s14 =	sshll.u32 s0, $0xA;
	s2 =	sadd.s32 s3, s2  }
0x8d: {  	s2 =	sadd.s32 s2, s14  }
0x8e: {  	[smem:$0x3FB6] =	sst s2  }
0x8f: {  	_ = 	snop  }
0x90: {  	s2 =	sld [smem:$0x3FD0];
	_ =	sdelay $0x2  }
0x91: {  	s15 =	simm.s32 $0xA;
	s4 =	simm.s32 $0x10  }
0x92: {  	[smem:s4], [sflag:s15] =	dma.local [hbm:s2], $0x1  }
0x93: {  	_ =	swait.eq [sflag:s15], $0x1  }
0x94: {  	[sflag:s15] =	ssyncset.done $0x0  }
0x95: {  	[sflag:s15] =	ssyncadd.s32 $0xFFFFFFFF  }
0x96: {  	s16 =	sld [smem:$0x11];
	(tm) =	ssettm $0x1  }
0x97: {  	s17 =	sld [smem:$0x3FFB];
	_ =	sdelay $0x3  }
0x98: {  	_ =	strace s17  }
0x99: {  	s3 =	sld [smem:$0x3FFC];
	_ =	sdelay $0x3  }
0x9a: {  	_ =	strace s3  }
0x9b: {  	s3 =	sld [smem:$0x3FFD];
	_ =	sdelay $0x3  }
0x9c: {  	_ =	strace s3  }
0x9d: {  	_ =	strace $0x8FFFFFFF  }
0x9e: {  	s18 =	sld [smem:$0x3FDB];
	_ =	sdelay $0x1  }
0x9f: {  	s19 =	simm.s32 $_scs_section_size  }
0xa0: {  	s5 =	simm.s32 $_size__tile_overlayer_lowered;
	s6 =	simm.s32 $_tile_overlayer_lowered  }
0xa1: {  	s22 =	simm.s32 $0x1BFF;
	s21 =	sshll.u32 s6, $0x1;
	s3 =	sadd.s32 s19, s18  }
0xa2: {  	s7 =	simm.s32 $0x0;
	s20 =	sshll.u32 s5, $0x1;
	s5 =	sadd.s32 s21, s3  }
0xa3: {  	[timem:s7], [sflag:s22] =	dma.local [hbm:s5], s20  }
0xa4: {  	_ =	swait.ge [sflag:s22], s20  }
0xa5: {  	s4 =	ssub.s32 $0x0, s20;
	[sflag:s22] =	ssyncset.done $0x0  }
0xa6: {  	[sflag:s22] =	ssyncadd.s32 s4;
	_ =	sdelay $0x1  }
0xa7: {  	s23 =	simm.s32 $0x1B8B  }
0xa8: {  	_ =	swait.ge [sflag:s23], $0x1  }
0xa9: {  	[sflag:s23] =	ssyncset.done $0x0  }
0xaa: {  	s25 =	simm.s32 $0x1B8E;
	s24 =	sld [smem:$0x3FFE];
	[sflag:s23] =	ssyncadd.s32 $0xFFFFFFFF  }
0xab: {  	s26 =	simm.s32 $execute0_lowered;
	[smem:$0x3FD2] =	sst s25  }
0xac: {  	s5 =	sshll.u32 s26, $0x1;
	_ =	strace $0x80000046;
	[dreg:$0x1] =	wrdreg $0xFFFFFFFF  }
0xad: {  	s28 =	simm.s32 $_size_execute0_lowered;
	s3 =	sadd.s32 s3, s5;
	[dreg:$0x0] =	wrdreg $0x0  }
0xae: {  	s5 =	sshll.u32 s28, $0x1;
	[dreg:$0x2] =	wrdreg s3  }
0xaf: {  	[dreg:$0x3] =	wrdreg s5  }
0xb0: {  	[dreg:$0x4] =	wrdreg $0xC0  }
0xb1: {  	_ =	task [dreg:s7], $0x5FFFF  }
0xb2: {  	[dreg:$0x1] =	wrdreg $0xFFFFFFFF  }
0xb3: {  	[dreg:$0x0] =	wrdreg $0x60  }
0xb4: {  	[dreg:$0x2] =	wrdreg s24  }
0xb5: {  	[dreg:$0x3] =	wrdreg s16  }
0xb6: {  	[dreg:$0x4] =	wrdreg $0x9  }
0xb7: {  	_ =	task.clear_ibuf [dreg:s7], $0x5FFFF;
	_ =	strace $0x90000046  }
0xb8: {  	s29 =	simm.s32 $0x9;
	_ =	strace $0x80000048  }
0xb9: {  	_ =	swait.ge [sflag:s29], $0x1  }
0xba: {  	[sflag:s29] =	ssyncadd.s32 $0xFFFFFFFF  }
0xbb: {  	_ =	strace $0x90000048  }
0xbc: {  	_ =	sfence  }
0xbd: {  	s30 =	sld [smem:$0x0];
	_ =	sdelay $0x2  }
0xbe: {  	s31 =	sshll.u32 s1, $0xD;
	s1 =	sshrl.u32 s1, $0x2  }
0xbf: {  	s3 =	sand.u32 $0x4000, s31;
	s1 =	sadd.s32 s1, s30  }
0xc0: {  	s0 =	sor.u32 s3, s0;
	s1 =	sshll.u32 s1, $0x11  }
0xc1: {  	s0 =	sor.u32 s1, s0  }
0xc2: {  	s0 =	sadd.s32 $0x8F2B, s0  }
0xc3: {  	[sflag:s0] =	ssyncadd.remote.s32 $0x1  }
0xc4: {  	_ =	sfence.sel $0xFFFF  }
0xc5: {  	[dreg:$0x0] =	wrdreg $0xFFFFFFFF;
	(pc) =	sbr.abs _section_cstart, $3  }
0xc6: {  	[dreg:$0x1] =	wrdreg $0xFFFFFFFF  }
0xc7: {  	_ =	task.clear_ibuf [dreg:s7], $0x2FFFF;
	_ =	strace $0x9FFFFFFF  }
0xc8: {  	(tm) =	ssettm $0x7FFFFFFF  }
0xc9: {  	_ =	shalt  }
tec
execute0_lowered:
.L_overlay_start_1:
0x0: {  	(tag) =	ssettag $0x1  }
0x1: {  	s7 =	rddreg [dreg:$0x0]  }
0x2: {  	s2 =	rddreg [dreg:$0x1]  }
0x3: {  	s0 =	rddreg [dreg:$0x2]  }
0x4: {  	s1 =	srdreg.scid;
	_ =	strace $0x80000047;
	s4 =	simm.s32 $0x1  }
0x5: {  	s9 =	simm.s32 $0x3;
	s12 =	simm.s32 $0x0;
	s5 =	sshll.u32 s1, $0x4  }
.Ltmp0:
0x6: {  	s1 =	stileid.u32;
	s5 =	sand.u32 $0x10, s5;
	(pc) =	sbr.rel .LBB2_1-.Ltmp0, $4  }
0x7: {  	s10 =	simm.s32 $0x0;
	s3 =	sadd.s32 $0x1200, s7;
	s6 =	sor.u32 s1, s5  }
0x8: {  	[sflag:s4] =	ssyncpa.u1 $0x0;
	s5 =	simm.s32 $0x2;
	s6 =	sshll.u32 s6, $0x7  }
0x9: {  	s7 =	sadd.s32 $0x81200, s7;
	[sflag:s5] =	ssyncpa.u1 $0x0;
	s8 =	sadd.s32 $0x80, s6  }
0xa: {  	vm0 =	vmmov $0xff;
	vm1 =	vcmask $0x3F20;
	[sflag:s9] =	ssyncpa.u1 $0x0;
	s9 =	simm.s32 $0x80;
	s11 =	smov.u32 s6  }
.LBB2_9:
0xb: {  	p0 =	seq.s32 s10, $0x2  }
.Ltmp1:
0xc: {  	_ = 	snop;
	(pc) =	sbr.rel @p0 .LBB2_11-.Ltmp1, $1  }
0xd: {  	_ =	sdelay $0x3  }
.LBB2_10:
0xe: {  	s12 =	sadd.s32 $0x80, s11  }
0xf: {  	s13 =	smov.u32 s6;
	p0 =	slt.s32 s12, s8  }
0x10: {  	s13 =	smov.u32 @p0 s12  }
0x11: {  	s10 =	sadd.s32 $0x1, s10;
	s12 =	smov.u32 s11;
	s11 =	smov.u32 s13  }
.LBB2_1:
0x12: {  	p0 =	sne.s32 s10, $0x0  }
.Ltmp2:
0x13: {  	_ = 	snop;
	(pc) =	sbr.rel @!p0 .LBB2_2-.Ltmp2, $1  }
0x14: {  	_ =	sdelay $0x3  }
0x15: {  	s13 =	sand.u32 $0x1, s10  }
0x16: {  	p0 =	seq.s32 s13, $0x0  }
.Ltmp3:
0x17: {  	_ = 	snop;
	(pc) =	sbr.rel @p0 .LBB2_9-.Ltmp3, $1  }
0x18: {  	_ =	sdelay $0x3  }
0x19: {  	_ =	swait.ge [sflag:s5], $0x80  }
0x1a: {  	[sflag:s5] =	ssyncset.done $0x0  }
0x1b: {  	s13 =	simm.s32 $0x0;
	[sflag:s5] =	ssyncadd.s32 $0xFFFFFF80  }
0x1c: {  	v0 =	vld.msk [tilespmem:s13+$0x80 ss:$0x1], $0xffff;
	_ =	sdelay $0x4  }
0x1d: {  	v1 =	vshll.u32 v0, $0x5  }
0x1e: {  	vm2 =	veq.s32 v0, $0x80000000;
	v0 =	vshll.u32 v0, $0x14;
	v1 =	vand.u32 $0xFFF80, v1  }
0x1f: {  	v0 =	vand.u32 $0x300000, v0;
	v1 =	vsel vm2, $0xFFFFFF80, v1  }
0x20: {  	v0 =	vsel vm2, $0xFFF00000, v0;
	v2 =	vand.u32 $0xFFFFFC00, v1  }
0x21: {  	v1 =	vand.u32 $0x380, v1;
	v0 =	vadd.s32 v0, v2  }
0x22: {  	v0 =	vor.u32 v1, v0  }
0x23: {  	v0 =	vshrl.u32 v0, $0x3;
	_ =	sdelay $0x3  }
0x24: {  	s13 =	simm.s32 $0x4100  }
0x25: {  	[tilespmem:s13], [sflag:$0x1] =	stream.indirect_vreg.gather [hbm:s3], $0x80, v0, vm0, $0x38;
	[tilespmem:$0x8100] =	vst v63  }
0x26: {  	s14 =	simm.s32 $0x4500;
	s31 =	simm.s32 $0x10  }
0x27: {  	[tilespmem:s14], [sflag:$0x1] =	stream.indirect_vreg.gather [hbm:s3], $0x80, v0, vm1, $0x38;
	[tilespmem:$0x8100] =	vst v63  }
0x28: {  	s14 =	simm.s32 $0x80;
	v0 =	vld.msk [tilespmem:s31+$0x80 ss:$0x1], $0xffff  }
.LBB2_5:
0x29: {  	p0 =	sne.s32 s14, $0x1C0;
	_ =	sdelay $0x4  }
0x2a: {  	v1 =	vshll.u32 v0, $0x5  }
0x2b: {  	vm2 =	veq.s32 v0, $0x80000000;
	v0 =	vshll.u32 v0, $0x14;
	v1 =	vand.u32 $0xFFF80, v1  }
0x2c: {  	v0 =	vand.u32 $0x300000, v0;
	v1 =	vsel vm2, $0xFFFFFF80, v1  }
0x2d: {  	v0 =	vsel vm2, $0xFFF00000, v0;
	v2 =	vand.u32 $0xFFFFFC00, v1  }
0x2e: {  	v1 =	vand.u32 $0x380, v1;
	v0 =	vadd.s32 v0, v2  }
0x2f: {  	v0 =	vor.u32 v1, v0  }
0x30: {  	v0 =	vshrl.u32 v0, $0x3;
	_ =	sdelay $0x3  }
.Ltmp4:
0x31: {  	s13 =	sadd.s32 $0x800, s13;
	(pc) =	sbr.rel @p0 .LBB2_5-.Ltmp4, $4  }
0x32: {  	[tilespmem:s13], [sflag:$0x1] =	stream.indirect_vreg.gather [hbm:s3], $0x80, v0, vm0, $0x38;
	[tilespmem:$0x8100] =	vst v63  }
0x33: {  	s15 =	sshra.s32 s14, $0x2;
	s16 =	sadd.s32 $0x400, s13  }
0x34: {  	[tilespmem:s16], [sflag:$0x1] =	stream.indirect_vreg.gather [hbm:s3], $0x80, v0, vm1, $0x38;
	[tilespmem:$0x8100] =	vst v63  }
0x35: {  	s14 =	sadd.s32 $0x40, s14;
	v0 =	vld.msk [tilespmem:s15+$0x80 ss:$0x1], $0xffff  }
0x36: {  	_ =	sdelay $0x3  }
0x37: {  	v1 =	vshll.u32 v0, $0x5  }
0x38: {  	vm2 =	veq.s32 v0, $0x80000000;
	v63 =	vshll.u32 v0, $0x14;
	v1 =	vand.u32 $0xFFF80, v1  }
0x39: {  	v0 =	vand.u32 $0x300000, v63;
	v1 =	vsel vm2, $0xFFFFFF80, v1  }
0x3a: {  	v0 =	vsel vm2, $0xFFF00000, v0;
	v2 =	vand.u32 $0xFFFFFC00, v1  }
0x3b: {  	v1 =	vand.u32 $0x380, v1;
	v0 =	vadd.s32 v0, v2  }
0x3c: {  	v0 =	vor.u32 v1, v0  }
0x3d: {  	v0 =	vshrl.u32 v0, $0x3;
	_ =	sdelay $0x3  }
0x3e: {  	s13 =	sadd.s32 $0x800, s13  }
0x3f: {  	[tilespmem:s13], [sflag:$0x1] =	stream.indirect_vreg.gather [hbm:s3], $0x80, v0, vm0, $0x38;
	[tilespmem:$0x8100] =	vst v63  }
0x40: {  	s13 =	sadd.s32 $0x400, s13  }
0x41: {  	[tilespmem:s13], [sflag:$0x1] =	stream.indirect_vreg.gather [hbm:s3], $0x80, v0, vm1, $0x38;
	[tilespmem:$0x8100] =	vst v63  }
0x42: {  	s12 =	sshll.u32 s12, $0x4;
	s14 =	simm.s32 $0x80;
	_ =	swait.ge [sflag:s4], $0x4000  }
0x43: {  	s15 =	simm.s32 $0x4500;
	s12 =	sadd.s32 s12, s7;
	[sflag:s4] =	ssyncset.done $0x0  }
0x44: {  	s16 =	sadd.s32 $0x0, s12;
	s13 =	simm.s32 $0x4100;
	[sflag:s4] =	ssyncadd.s32 $0xFFFFC000  }
.LBB2_7:
0x45: {  	[hbm:s16] =	stream.linear.scatter [tilespmem:s13], [sflag:$0x3], $0x400, $0x38;
	[tilespmem:$0x8100] =	vst v63  }
0x46: {  	s16 =	smov.u32 s14;
	s13 =	smov.u32 s15;
	p0 =	sne.s32 s14, $0x780  }
.Ltmp5:
0x47: {  	s14 =	sadd.s32 $0x80, s14;
	(pc) =	sbr.rel @p0 .LBB2_7-.Ltmp5, $2  }
0x48: {  	_ =	sdelay $0x2  }
0x49: {  	s15 =	sadd.s32 $0x400, s15;
	s16 =	sadd.s32 s16, s12  }
.Ltmp6:
0x4a: {  	(pc) =	sbr.rel .LBB2_9-.Ltmp6, $2  }
0x4b: {  	_ =	sdelay $0x2  }
0x4c: {  	[hbm:s16] =	stream.linear.scatter [tilespmem:s13], [sflag:$0x3], $0x400, $0x38;
	[tilespmem:$0x8100] =	vst v63  }
.LBB2_2:
.Ltmp7:
0x4d: {  	(pc) =	sbr.rel .LBB2_10-.Ltmp7, $4  }
0x4e: {  	_ = 	snop  }
0x4f: {  	s12 =	sshrl.u32 s11, $0x3  }
0x50: {  	s13 =	sand.u32 $0x7, s11;
	s12 =	sadd.s32 s2, s12  }
0x51: {  	[tilespmem:s9], [sflag:$0x2] =	stream.linear.gather [hbm4b:s12+s13], $0x80, $0x38;
	[tilespmem:$0x8100] =	vst v63  }
.LBB2_11:
0x52: {  	s2 =	simm.s32 $0x3  }
0x53: {  	_ =	swait.ge [sflag:s2], $0x4000  }
0x54: {  	[sflag:s2] =	ssyncset.done $0x0  }
0x55: {  	[sflag:s2] =	ssyncadd.s32 $0xFFFFC000  }
0x56: {  	_ =	sfence.sel $0x180000  }
0x57: {  	s3 =	simm.s32 $0x2;
	[bflag:$0x0] =	sbarrier.arrive $0xFFFF  }
0x58: {  	[sflag:s3] =	ssyncpa.u1 $0x1  }
0x59: {  	s31 =	simm.s32 $0x1;
	[sflag:s2] =	ssyncpa.u1 $0x1  }
0x5a: {  	[sflag:s31] =	ssyncpa.u1 $0x1  }
0x5b: {  	p0 =	sne.s32 s1, $0x0;
	_ =	strace $0x90000047  }
0x5c: {  	s0 =	sadd.s32 @!p0 $0x100000, s0;
	[bflag:$0x2] =	sbarrier.arrive $0xFFFF  }
0x5d: {  	[sflag:s0] =	ssyncadd.tile.s32 @!p0 $0x1;
	_ =	shalt  }
.Lfunc_end2:
_tile_overlayer_lowered:
.L_overlay_start_2:
0x5e: {  	(tag) =	ssettag $0x2  }
0x5f: {  	s0 =	rddreg [dreg:$0x0];
	s2 =	stileid.u32  }
0x60: {  	s1 =	rddreg [dreg:$0x1];
	p0 =	sne.s32 s2, $0x0  }
0x61: {  	s3 =	rddreg [dreg:$0x2];
	[bflag:$0x3] =	sbarrier.arrive $0xFFFF;
	s2 =	simm.s32 @!p0 $0x1C01  }
0x62: {  	[timem:s3], [sflag:s2] =	dma.local @!p0 [hbm:s0], s1  }
0x63: {  	s0 =	simm.s32 @!p0 $0x1  }
0x64: {  	_ =	swait.ge @!p0 [sflag:s0], s1  }
0x65: {  	s1 =	ssub.s32 @!p0 $0x0, s1;
	[sflag:s0] =	ssyncset.done @!p0 $0x0  }
0x66: {  	[sflag:s0] =	ssyncadd.s32 @!p0 s1  }
0x67: {  	[bflag:$0x3] =	sbarrier.arrive $0xFFFF  }
0x68: {  	_ =	shalt  }

</sc_bundles>
